<compile_context>
chip_gen: v7x
topology: tpu7x:2x2x1
jax: 0.10.2.dev20260603
libtpu: 0.0.44.dev20260713+nightly
codegen_flags: <defaults>
</compile_context>

<pallas_src>
import jax
import jax.numpy as jnp
from jax import lax
from jax.experimental import pallas as pl
from jax.experimental.pallas import tpu as pltpu
from jax.experimental.pallas import tpu_sc as plsc

N = 10000
E = 320000
D = 128
EPS = 1e-5

NC = 2
NS = 16
NW = NC * NS
EDGES_PER_W = E // NW
K = 64
PAD = 240
NCHUNK = (EDGES_PER_W + PAD) // K
NBUF = 6
RSUB = 624


def _agg_body(x_hbm, xseed_hbm, rc_hbm, zero_hbm, out_hbm,
              rcv, gbuf, rcsem, gsem, agg_sp):
    c = lax.axis_index("c")
    s = lax.axis_index("s")
    wid = c * NS + s

    @pl.when(c == 0)
    def _():
        pltpu.sync_copy(xseed_hbm.at[pl.ds(s * RSUB, RSUB)],
                        agg_sp.at[pl.ds(s * RSUB, RSUB)])

        @pl.when(s == NS - 1)
        def _():
            pltpu.sync_copy(xseed_hbm.at[pl.ds(NS * RSUB, N - NS * RSUB)],
                            agg_sp.at[pl.ds(NS * RSUB, N - NS * RSUB)])

    @pl.when(c == 1)
    def _():
        pltpu.sync_copy(zero_hbm.at[pl.ds(s * RSUB, RSUB)],
                        agg_sp.at[pl.ds(s * RSUB, RSUB)])

        @pl.when(s == NS - 1)
        def _():
            pltpu.sync_copy(zero_hbm.at[pl.ds(NS * RSUB, N - NS * RSUB)],
                            agg_sp.at[pl.ds(NS * RSUB, N - NS * RSUB)])

    pltpu.sync_copy(rc_hbm.at[wid, pl.ds(0, NBUF)], rcv)

    plsc.subcore_barrier()

    for j in range(NBUF - 1):
        pltpu.async_copy(x_hbm.at[rcv.at[j, 1]], gbuf.at[j], gsem.at[j])

    def body(j, carry):
        b0 = lax.rem(j, NBUF)
        bp = lax.rem(j + NBUF - 1, NBUF)

        pltpu.make_async_copy(x_hbm.at[rcv.at[b0, 1]], gbuf.at[b0],
                              gsem.at[b0]).wait()

        @pl.when(j + NBUF < NCHUNK)
        def _():
            pltpu.async_copy(rc_hbm.at[wid, j + NBUF], rcv.at[b0],
                             rcsem.at[b0])

        @pl.when(j + NBUF - 1 < NCHUNK)
        def _():
            @pl.when(j >= 1)
            def _():
                pltpu.make_async_copy(rc_hbm.at[wid, j + NBUF - 1],
                                      rcv.at[bp], rcsem.at[bp]).wait()
            pltpu.async_copy(x_hbm.at[rcv.at[bp, 1]], gbuf.at[bp],
                             gsem.at[bp])
        return carry

    lax.fori_loop(0, NCHUNK, body, 0)

    plsc.subcore_barrier()

    pltpu.sync_copy(agg_sp.at[pl.ds(s * RSUB, RSUB)],
                    out_hbm.at[c, pl.ds(s * RSUB, RSUB)])

    @pl.when(s == NS - 1)
    def _():
        pltpu.sync_copy(agg_sp.at[pl.ds(NS * RSUB, N - NS * RSUB)],
                        out_hbm.at[c, pl.ds(NS * RSUB, N - NS * RSUB)])


def _agg(x_ext, x, rc4, zero):
    mesh = plsc.VectorSubcoreMesh(core_axis_name="c", subcore_axis_name="s")
    return pl.kernel(
        _agg_body,
        out_type=jax.ShapeDtypeStruct((NC, N, D), jnp.float32),
        mesh=mesh,
        scratch_types=[
            pltpu.VMEM((NBUF, 2, K), jnp.int32),
            pltpu.VMEM((NBUF, K, D), jnp.float32),
            pltpu.SemaphoreType.DMA((NBUF,)),
            pltpu.SemaphoreType.DMA((NBUF,)),
            pltpu.VMEM_SHARED((N, D), jnp.float32),
        ],
    )(x_ext, x, rc4, zero)


def _mlp_body(agg_ref, w1_ref, b1_ref, w2_ref, b2_ref, g_ref, be_ref, o_ref):
    h = agg_ref[0] + agg_ref[1]
    h = jnp.dot(h, w1_ref[...], preferred_element_type=jnp.float32)
    h = jnp.maximum(h + b1_ref[...], 0.0)
    h = jnp.dot(h, w2_ref[...], preferred_element_type=jnp.float32)
    h = h + b2_ref[...]
    mean = jnp.mean(h, axis=0, keepdims=True)
    cen = h - mean
    var = jnp.mean(cen * cen, axis=0, keepdims=True)
    o_ref[...] = cen * lax.rsqrt(var + EPS) * g_ref[...] + be_ref[...]


def _mlp(agg, w1, b1, w2, b2, g, be):
    return pl.pallas_call(
        _mlp_body,
        out_shape=jax.ShapeDtypeStruct((N, D), jnp.float32),
    )(agg, w1, b1.reshape(1, D), w2, b2.reshape(1, D),
      g.reshape(1, D), be.reshape(1, D))


def kernel(x, edge_index,
           W1_0, b1_0, W2_0, b2_0, g_0, be_0,
           W1_1, b1_1, W2_1, b2_1, g_1, be_1,
           W1_2, b1_2, W2_2, b2_2, g_2, be_2):
    row = edge_index[0].reshape(NW, EDGES_PER_W)
    col = edge_index[1].reshape(NW, EDGES_PER_W)
    rowp = jnp.pad(row, ((0, 0), (0, PAD)),
                   constant_values=0).reshape(NW, NCHUNK, 1, K)
    colp = jnp.pad(col, ((0, 0), (0, PAD)),
                   constant_values=N).reshape(NW, NCHUNK, 1, K)
    rc4 = jnp.concatenate([rowp, colp], axis=2)
    zero = jnp.zeros((N, D), jnp.float32)
    zrows = jnp.zeros((8, D), jnp.float32)
    params = [
        (W1_0, b1_0, W2_0, b2_0, g_0, be_0),
        (W1_1, b1_1, W2_1, b2_1, g_1, be_1),
        (W1_2, b1_2, W2_2, b2_2, g_2, be_2),
    ]
    for (w1, b1, w2, b2, g, be) in params:
        x_ext = jnp.concatenate([x, zrows], axis=0)
        agg = _agg(x_ext, x, rc4, zero)
        x = _mlp(agg, w1, b1, w2, b2, g, be)
    return x

# --- scband reference (transcript-rebuilt; emitter-appended) ---
"""Pipeline reference for scband-ginencoder-20469814133018 (READ-ONLY COPY).

The authoritative reference and input builder live on the scoring server;
editing this copy changes nothing except your own understanding.
"""

import jax, jax.numpy as jnp
import numpy as np

N = 10000
E = 320000
D = 128
L = 3
EPS = 1e-5


def setup_inputs(seed: int = 0) -> dict:
    key = jax.random.key(seed)
    ks = jax.random.split(key, 2 + 2 * L)
    inp = {}
    inp["x"] = jax.random.normal(ks[0], (N, D), dtype=jnp.float32)
    inp["edge_index"] = jax.random.randint(ks[1], (2, E), 0, N, dtype=jnp.int32)
    for i in range(L):
        inp[f"W1_{i}"] = jax.random.normal(ks[2 + 2 * i], (D, D), dtype=jnp.float32) * 0.05
        inp[f"b1_{i}"] = jnp.zeros((D,), dtype=jnp.float32)
        inp[f"W2_{i}"] = jax.random.normal(ks[3 + 2 * i], (D, D), dtype=jnp.float32) * 0.05
        inp[f"b2_{i}"] = jnp.zeros((D,), dtype=jnp.float32)
        inp[f"g_{i}"] = jnp.ones((D,), dtype=jnp.float32)
        inp[f"be_{i}"] = jnp.zeros((D,), dtype=jnp.float32)
    return inp


def _gin_layer(x, row, col, W1, b1, W2, b2, g, be):
    # scatter-add aggregation of neighbor features: agg[row] += x[col]
    agg = jnp.zeros_like(x).at[row].add(x[col])
    h = x + agg
    # mlp: Linear -> ReLU -> Linear -> BatchNorm1d (training-mode batch stats)
    h = jax.nn.relu(h @ W1 + b1)
    h = h @ W2 + b2
    mean = jnp.mean(h, axis=0)
    var = jnp.var(h, axis=0)  # biased variance, matches torch BN normalization
    h = (h - mean) / jnp.sqrt(var + EPS) * g + be
    return h


def reference(x, edge_index,
              W1_0, b1_0, W2_0, b2_0, g_0, be_0,
              W1_1, b1_1, W2_1, b2_1, g_1, be_1,
              W1_2, b1_2, W2_2, b2_2, g_2, be_2):
    params = {
        "W1_0": W1_0, "b1_0": b1_0, "W2_0": W2_0, "b2_0": b2_0, "g_0": g_0, "be_0": be_0,
        "W1_1": W1_1, "b1_1": b1_1, "W2_1": W2_1, "b2_1": b2_1, "g_1": g_1, "be_1": be_1,
        "W1_2": W1_2, "b1_2": b1_2, "W2_2": W2_2, "b2_2": b2_2, "g_2": g_2, "be_2": be_2,
    }
    row = edge_index[0]
    col = edge_index[1]
    for i in range(L):
        x = _gin_layer(
            x, row, col,
            params[f"W1_{i}"], params[f"b1_{i}"],
            params[f"W2_{i}"], params[f"b2_{i}"],
            params[f"g_{i}"], params[f"be_{i}"],
        )
    return x

if __name__ == "__main__":
    import jax
    _d = setup_inputs()
    print(jax.jit(kernel)(*tuple(_d.values())))

</pallas_src>

<mosaic_0001>
#map = affine_map<(d0, d1) -> (0, 0)>
#map1 = affine_map<(d0, d1) -> (0, 0, 0, 0)>
#map2 = affine_map<(d0, d1) -> (0, 0, 0)>
module attributes {stable_mosaic.version = 14 : i64} {
  func.func @_agg_body(%arg0: i32, %arg1: i32, %arg2: memref<10008x128xf32, #tpu.memory_space<hbm>>, %arg3: memref<10000x128xf32, #tpu.memory_space<hbm>>, %arg4: memref<32x160x2x64xi32, #tpu.memory_space<hbm>>, %arg5: memref<10000x128xf32, #tpu.memory_space<hbm>>, %arg6: memref<2x10000x128xf32, #tpu.memory_space<hbm>>, %arg7: memref<6x2x64xi32, #tpu.memory_space<vmem>>, %arg8: memref<6x64x128xf32, #tpu.memory_space<vmem>>, %arg9: memref<6x!tpu.dma_semaphore, #tpu.memory_space<semaphore_mem>>, %arg10: memref<6x!tpu.dma_semaphore, #tpu.memory_space<semaphore_mem>>, %arg11: memref<10000x128xf32, #tpu.memory_space<vmem_shared>>) attributes {dimension_semantics = [#tpu.dimension_semantics<core_parallel>, #tpu.dimension_semantics<subcore_parallel>], iteration_bounds = array<i64: 2, 16>, scalar_prefetch = 0 : i64, scratch_operands = 5 : i64, tpu.core_type = #tpu.core_type<sc_vector_subcore>, window_params = [{transform_indices = #map}, {transform_indices = #map}, {transform_indices = #map1}, {transform_indices = #map}, {transform_indices = #map2}]} {
    %mul3A = arith.constant 16 : i32
    %mul3A_0 = arith.muli %arg0, %mul3A : i32
    %add3A = arith.addi %mul3A_0, %arg1 : i32
    %eq3A = arith.constant 0 : i32
    %eq3A_1 = arith.cmpi eq, %arg0, %eq3A : i32
    %convert_element_type3A = arith.extui %eq3A_1 : i1 to i32
    %cond3A = arith.constant 0 : i32
    %cond3A_2 = arith.cmpi ne, %convert_element_type3A, %cond3A : i32
    scf.if %cond3A_2 {
      %mul3A_102 = arith.constant 624 : i32
      %mul3A_103 = arith.muli %arg1, %mul3A_102 : i32
      %mul3A_104 = arith.constant 624 : i32
      %mul3A_105 = arith.muli %arg1, %mul3A_104 : i32
      "tpu.region"() ({
        %run_scoped3A = tpu.sem_alloc : memref<!tpu.dma_semaphore, #tpu.memory_space<semaphore_mem>>
        %dma_start3A_111 = arith.constant 0 : i32
        %dma_start3A_112 = tpu.memref_slice %arg11[%mul3A_105, %dma_start3A_111] : memref<10000x128xf32, #tpu.memory_space<vmem_shared>> -> memref<624x128xf32, #tpu.memory_space<vmem_shared>>
        %dma_start3A_113 = arith.constant 0 : i32
        %dma_start3A_114 = tpu.memref_slice %arg3[%mul3A_103, %dma_start3A_113] : memref<10000x128xf32, #tpu.memory_space<hbm>> -> memref<624x128xf32, #tpu.memory_space<hbm>>
        tpu.enqueue_dma source(%dma_start3A_114 : memref<624x128xf32, #tpu.memory_space<hbm>>) target(%dma_start3A_112 : memref<624x128xf32, #tpu.memory_space<vmem_shared>>) target_semaphore(%run_scoped3A : memref<!tpu.dma_semaphore, #tpu.memory_space<semaphore_mem>>)
        %dma_wait3A = arith.constant 0 : i32
        %dma_wait3A_115 = tpu.memref_slice %arg11[%mul3A_105, %dma_wait3A] : memref<10000x128xf32, #tpu.memory_space<vmem_shared>> -> memref<624x128xf32, #tpu.memory_space<vmem_shared>>
        %dma_wait3A_116 = arith.constant 0 : i32
        %dma_wait3A_117 = tpu.memref_slice %arg3[%mul3A_103, %dma_wait3A_116] : memref<10000x128xf32, #tpu.memory_space<hbm>> -> memref<624x128xf32, #tpu.memory_space<hbm>>
        tpu.wait_dma2 semaphore(%run_scoped3A : memref<!tpu.dma_semaphore, #tpu.memory_space<semaphore_mem>>) src(%dma_wait3A_117 : memref<624x128xf32, #tpu.memory_space<hbm>>) dst(%dma_wait3A_115 : memref<624x128xf32, #tpu.memory_space<vmem_shared>>)
        tpu.yield
      }) : () -> ()
      %eq3A_106 = arith.constant 15 : i32
      %eq3A_107 = arith.cmpi eq, %arg1, %eq3A_106 : i32
      %convert_element_type3A_108 = arith.extui %eq3A_107 : i1 to i32
      %cond3A_109 = arith.constant 0 : i32
      %cond3A_110 = arith.cmpi ne, %convert_element_type3A_108, %cond3A_109 : i32
      scf.if %cond3A_110 {
        "tpu.region"() ({
          %run_scoped3A = tpu.sem_alloc : memref<!tpu.dma_semaphore, #tpu.memory_space<semaphore_mem>>
          %dma_start3A_111 = arith.constant 9984 : i32
          %dma_start3A_112 = arith.constant 0 : i32
          %dma_start3A_113 = tpu.memref_slice %arg11[%dma_start3A_111, %dma_start3A_112] : memref<10000x128xf32, #tpu.memory_space<vmem_shared>> -> memref<16x128xf32, #tpu.memory_space<vmem_shared>>
          %dma_start3A_114 = arith.constant 9984 : i32
          %dma_start3A_115 = arith.constant 0 : i32
          %dma_start3A_116 = tpu.memref_slice %arg3[%dma_start3A_114, %dma_start3A_115] : memref<10000x128xf32, #tpu.memory_space<hbm>> -> memref<16x128xf32, #tpu.memory_space<hbm>>
          tpu.enqueue_dma source(%dma_start3A_116 : memref<16x128xf32, #tpu.memory_space<hbm>>) target(%dma_start3A_113 : memref<16x128xf32, #tpu.memory_space<vmem_shared>>) target_semaphore(%run_scoped3A : memref<!tpu.dma_semaphore, #tpu.memory_space<semaphore_mem>>)
          %dma_wait3A = arith.constant 9984 : i32
          %dma_wait3A_117 = arith.constant 0 : i32
          %dma_wait3A_118 = tpu.memref_slice %arg11[%dma_wait3A, %dma_wait3A_117] : memref<10000x128xf32, #tpu.memory_space<vmem_shared>> -> memref<16x128xf32, #tpu.memory_space<vmem_shared>>
          %dma_wait3A_119 = arith.constant 9984 : i32
          %dma_wait3A_120 = arith.constant 0 : i32
          %dma_wait3A_121 = tpu.memref_slice %arg3[%dma_wait3A_119, %dma_wait3A_120] : memref<10000x128xf32, #tpu.memory_space<hbm>> -> memref<16x128xf32, #tpu.memory_space<hbm>>
          tpu.wait_dma2 semaphore(%run_scoped3A : memref<!tpu.dma_semaphore, #tpu.memory_space<semaphore_mem>>) src(%dma_wait3A_121 : memref<16x128xf32, #tpu.memory_space<hbm>>) dst(%dma_wait3A_118 : memref<16x128xf32, #tpu.memory_space<vmem_shared>>)
          tpu.yield
        }) : () -> ()
      } else {
      }
    } else {
    }
    %eq3A_3 = arith.constant 1 : i32
    %eq3A_4 = arith.cmpi eq, %arg0, %eq3A_3 : i32
    %convert_element_type3A_5 = arith.extui %eq3A_4 : i1 to i32
    %cond3A_6 = arith.constant 0 : i32
    %cond3A_7 = arith.cmpi ne, %convert_element_type3A_5, %cond3A_6 : i32
    scf.if %cond3A_7 {
      %mul3A_102 = arith.constant 624 : i32
      %mul3A_103 = arith.muli %arg1, %mul3A_102 : i32
      %mul3A_104 = arith.constant 624 : i32
      %mul3A_105 = arith.muli %arg1, %mul3A_104 : i32
      "tpu.region"() ({
        %run_scoped3A = tpu.sem_alloc : memref<!tpu.dma_semaphore, #tpu.memory_space<semaphore_mem>>
        %dma_start3A_111 = arith.constant 0 : i32
        %dma_start3A_112 = tpu.memref_slice %arg11[%mul3A_105, %dma_start3A_111] : memref<10000x128xf32, #tpu.memory_space<vmem_shared>> -> memref<624x128xf32, #tpu.memory_space<vmem_shared>>
        %dma_start3A_113 = arith.constant 0 : i32
        %dma_start3A_114 = tpu.memref_slice %arg5[%mul3A_103, %dma_start3A_113] : memref<10000x128xf32, #tpu.memory_space<hbm>> -> memref<624x128xf32, #tpu.memory_space<hbm>>
        tpu.enqueue_dma source(%dma_start3A_114 : memref<624x128xf32, #tpu.memory_space<hbm>>) target(%dma_start3A_112 : memref<624x128xf32, #tpu.memory_space<vmem_shared>>) target_semaphore(%run_scoped3A : memref<!tpu.dma_semaphore, #tpu.memory_space<semaphore_mem>>)
        %dma_wait3A = arith.constant 0 : i32
        %dma_wait3A_115 = tpu.memref_slice %arg11[%mul3A_105, %dma_wait3A] : memref<10000x128xf32, #tpu.memory_space<vmem_shared>> -> memref<624x128xf32, #tpu.memory_space<vmem_shared>>
        %dma_wait3A_116 = arith.constant 0 : i32
        %dma_wait3A_117 = tpu.memref_slice %arg5[%mul3A_103, %dma_wait3A_116] : memref<10000x128xf32, #tpu.memory_space<hbm>> -> memref<624x128xf32, #tpu.memory_space<hbm>>
        tpu.wait_dma2 semaphore(%run_scoped3A : memref<!tpu.dma_semaphore, #tpu.memory_space<semaphore_mem>>) src(%dma_wait3A_117 : memref<624x128xf32, #tpu.memory_space<hbm>>) dst(%dma_wait3A_115 : memref<624x128xf32, #tpu.memory_space<vmem_shared>>)
        tpu.yield
      }) : () -> ()
      %eq3A_106 = arith.constant 15 : i32
      %eq3A_107 = arith.cmpi eq, %arg1, %eq3A_106 : i32
      %convert_element_type3A_108 = arith.extui %eq3A_107 : i1 to i32
      %cond3A_109 = arith.constant 0 : i32
      %cond3A_110 = arith.cmpi ne, %convert_element_type3A_108, %cond3A_109 : i32
      scf.if %cond3A_110 {
        "tpu.region"() ({
          %run_scoped3A = tpu.sem_alloc : memref<!tpu.dma_semaphore, #tpu.memory_space<semaphore_mem>>
          %dma_start3A_111 = arith.constant 9984 : i32
          %dma_start3A_112 = arith.constant 0 : i32
          %dma_start3A_113 = tpu.memref_slice %arg11[%dma_start3A_111, %dma_start3A_112] : memref<10000x128xf32, #tpu.memory_space<vmem_shared>> -> memref<16x128xf32, #tpu.memory_space<vmem_shared>>
          %dma_start3A_114 = arith.constant 9984 : i32
          %dma_start3A_115 = arith.constant 0 : i32
          %dma_start3A_116 = tpu.memref_slice %arg5[%dma_start3A_114, %dma_start3A_115] : memref<10000x128xf32, #tpu.memory_space<hbm>> -> memref<16x128xf32, #tpu.memory_space<hbm>>
          tpu.enqueue_dma source(%dma_start3A_116 : memref<16x128xf32, #tpu.memory_space<hbm>>) target(%dma_start3A_113 : memref<16x128xf32, #tpu.memory_space<vmem_shared>>) target_semaphore(%run_scoped3A : memref<!tpu.dma_semaphore, #tpu.memory_space<semaphore_mem>>)
          %dma_wait3A = arith.constant 9984 : i32
          %dma_wait3A_117 = arith.constant 0 : i32
          %dma_wait3A_118 = tpu.memref_slice %arg11[%dma_wait3A, %dma_wait3A_117] : memref<10000x128xf32, #tpu.memory_space<vmem_shared>> -> memref<16x128xf32, #tpu.memory_space<vmem_shared>>
          %dma_wait3A_119 = arith.constant 9984 : i32
          %dma_wait3A_120 = arith.constant 0 : i32
          %dma_wait3A_121 = tpu.memref_slice %arg5[%dma_wait3A_119, %dma_wait3A_120] : memref<10000x128xf32, #tpu.memory_space<hbm>> -> memref<16x128xf32, #tpu.memory_space<hbm>>
          tpu.wait_dma2 semaphore(%run_scoped3A : memref<!tpu.dma_semaphore, #tpu.memory_space<semaphore_mem>>) src(%dma_wait3A_121 : memref<16x128xf32, #tpu.memory_space<hbm>>) dst(%dma_wait3A_118 : memref<16x128xf32, #tpu.memory_space<vmem_shared>>)
          tpu.yield
        }) : () -> ()
      } else {
      }
    } else {
    }
    "tpu.region"() ({
      %run_scoped3A = tpu.sem_alloc : memref<!tpu.dma_semaphore, #tpu.memory_space<semaphore_mem>>
      %dma_start3A_102 = arith.constant 0 : i32
      %dma_start3A_103 = arith.constant 0 : i32
      %dma_start3A_104 = arith.constant 0 : i32
      %dma_start3A_105 = tpu.memref_slice %arg4[%add3A, %dma_start3A_102, %dma_start3A_103, %dma_start3A_104] : memref<32x160x2x64xi32, #tpu.memory_space<hbm>> -> memref<1x6x2x64xi32, #tpu.memory_space<hbm>>
      %dma_start3A_106 = tpu.memref_squeeze %dma_start3A_105 : memref<1x6x2x64xi32, #tpu.memory_space<hbm>> -> memref<6x2x64xi32, #tpu.memory_space<hbm>>
      %dma_start3A_107 = arith.constant 0 : i32
      %dma_start3A_108 = arith.constant 0 : i32
      %dma_start3A_109 = arith.constant 0 : i32
      %dma_start3A_110 = tpu.memref_slice %arg4[%add3A, %dma_start3A_107, %dma_start3A_108, %dma_start3A_109] : memref<32x160x2x64xi32, #tpu.memory_space<hbm>> -> memref<1x6x2x64xi32, #tpu.memory_space<hbm>>
      %dma_start3A_111 = tpu.memref_squeeze %dma_start3A_110 : memref<1x6x2x64xi32, #tpu.memory_space<hbm>> -> memref<6x2x64xi32, #tpu.memory_space<hbm>>
      tpu.enqueue_dma source(%dma_start3A_111 : memref<6x2x64xi32, #tpu.memory_space<hbm>>) target(%arg7 : memref<6x2x64xi32, #tpu.memory_space<vmem>>) target_semaphore(%run_scoped3A : memref<!tpu.dma_semaphore, #tpu.memory_space<semaphore_mem>>)
      %dma_wait3A = arith.constant 0 : i32
      %dma_wait3A_112 = arith.constant 0 : i32
      %dma_wait3A_113 = arith.constant 0 : i32
      %dma_wait3A_114 = tpu.memref_slice %arg4[%add3A, %dma_wait3A, %dma_wait3A_112, %dma_wait3A_113] : memref<32x160x2x64xi32, #tpu.memory_space<hbm>> -> memref<1x6x2x64xi32, #tpu.memory_space<hbm>>
      %dma_wait3A_115 = tpu.memref_squeeze %dma_wait3A_114 : memref<1x6x2x64xi32, #tpu.memory_space<hbm>> -> memref<6x2x64xi32, #tpu.memory_space<hbm>>
      %dma_wait3A_116 = arith.constant 0 : i32
      %dma_wait3A_117 = arith.constant 0 : i32
      %dma_wait3A_118 = arith.constant 0 : i32
      %dma_wait3A_119 = tpu.memref_slice %arg4[%add3A, %dma_wait3A_116, %dma_wait3A_117, %dma_wait3A_118] : memref<32x160x2x64xi32, #tpu.memory_space<hbm>> -> memref<1x6x2x64xi32, #tpu.memory_space<hbm>>
      %dma_wait3A_120 = tpu.memref_squeeze %dma_wait3A_119 : memref<1x6x2x64xi32, #tpu.memory_space<hbm>> -> memref<6x2x64xi32, #tpu.memory_space<hbm>>
      tpu.wait_dma2 semaphore(%run_scoped3A : memref<!tpu.dma_semaphore, #tpu.memory_space<semaphore_mem>>) src(%dma_wait3A_120 : memref<6x2x64xi32, #tpu.memory_space<hbm>>) dst(%arg7 : memref<6x2x64xi32, #tpu.memory_space<vmem>>)
      tpu.yield
    }) : () -> ()
    %barrier3A = arith.constant 0 : index
    tpu.barrier barrier_id(%barrier3A)
    %dma_start3A = arith.constant 0 : i32
    %dma_start3A_8 = arith.constant 1 : i32
    %dma_start3A_9 = arith.constant 0 : i32
    %dma_start3A_10 = arith.constant 0 : i32
    %dma_start3A_11 = arith.constant 0 : i32
    %dma_start3A_12 = arith.constant 0 : i32
    %dma_start3A_13 = tpu.memref_slice %arg8[%dma_start3A_9, %dma_start3A_11, %dma_start3A_12] : memref<6x64x128xf32, #tpu.memory_space<vmem>> -> memref<1x64x128xf32, #tpu.memory_space<vmem>>
    %dma_start3A_14 = tpu.memref_squeeze %dma_start3A_13 : memref<1x64x128xf32, #tpu.memory_space<vmem>> -> memref<64x128xf32, #tpu.memory_space<vmem>>
    %dma_start3A_15 = arith.constant 0 : i32
    %dma_start3A_16 = tpu.memref_slice %arg7[%dma_start3A, %dma_start3A_8, %dma_start3A_15] : memref<6x2x64xi32, #tpu.memory_space<vmem>> -> memref<1x1x64xi32, #tpu.memory_space<vmem>>
    %dma_start3A_17 = tpu.memref_squeeze %dma_start3A_16 : memref<1x1x64xi32, #tpu.memory_space<vmem>> -> memref<64xi32, #tpu.memory_space<vmem>>
    %dma_start3A_18 = arith.constant 0 : i32
    %dma_start3A_19 = arith.constant 0 : i32
    %dma_start3A_20 = tpu.memref_slice %arg2[%dma_start3A_18, %dma_start3A_19] : memref<10008x128xf32, #tpu.memory_space<hbm>> -> memref<10008x128xf32, #tpu.memory_space<hbm>>
    %dma_start3A_21 = tpu.memref_slice %arg10[%dma_start3A_10] : memref<6x!tpu.dma_semaphore, #tpu.memory_space<semaphore_mem>> -> memref<1x!tpu.dma_semaphore, #tpu.memory_space<semaphore_mem>>
    %dma_start3A_22 = tpu.memref_squeeze %dma_start3A_21 : memref<1x!tpu.dma_semaphore, #tpu.memory_space<semaphore_mem>> -> memref<!tpu.dma_semaphore, #tpu.memory_space<semaphore_mem>>
    tpu.enqueue_indirect_dma source(%dma_start3A_20 : memref<10008x128xf32, #tpu.memory_space<hbm>>) target(%dma_start3A_14 : memref<64x128xf32, #tpu.memory_space<vmem>>) offsets(%dma_start3A_17 : memref<64xi32, #tpu.memory_space<vmem>>) semaphore(%dma_start3A_22 : memref<!tpu.dma_semaphore, #tpu.memory_space<semaphore_mem>>)
    %dma_start3A_23 = arith.constant 1 : i32
    %dma_start3A_24 = arith.constant 1 : i32
    %dma_start3A_25 = arith.constant 1 : i32
    %dma_start3A_26 = arith.constant 1 : i32
    %dma_start3A_27 = arith.constant 0 : i32
    %dma_start3A_28 = arith.constant 0 : i32
    %dma_start3A_29 = tpu.memref_slice %arg8[%dma_start3A_25, %dma_start3A_27, %dma_start3A_28] : memref<6x64x128xf32, #tpu.memory_space<vmem>> -> memref<1x64x128xf32, #tpu.memory_space<vmem>>
    %dma_start3A_30 = tpu.memref_squeeze %dma_start3A_29 : memref<1x64x128xf32, #tpu.memory_space<vmem>> -> memref<64x128xf32, #tpu.memory_space<vmem>>
    %dma_start3A_31 = arith.constant 0 : i32
    %dma_start3A_32 = tpu.memref_slice %arg7[%dma_start3A_23, %dma_start3A_24, %dma_start3A_31] : memref<6x2x64xi32, #tpu.memory_space<vmem>> -> memref<1x1x64xi32, #tpu.memory_space<vmem>>
    %dma_start3A_33 = tpu.memref_squeeze %dma_start3A_32 : memref<1x1x64xi32, #tpu.memory_space<vmem>> -> memref<64xi32, #tpu.memory_space<vmem>>
    %dma_start3A_34 = arith.constant 0 : i32
    %dma_start3A_35 = arith.constant 0 : i32
    %dma_start3A_36 = tpu.memref_slice %arg2[%dma_start3A_34, %dma_start3A_35] : memref<10008x128xf32, #tpu.memory_space<hbm>> -> memref<10008x128xf32, #tpu.memory_space<hbm>>
    %dma_start3A_37 = tpu.memref_slice %arg10[%dma_start3A_26] : memref<6x!tpu.dma_semaphore, #tpu.memory_space<semaphore_mem>> -> memref<1x!tpu.dma_semaphore, #tpu.memory_space<semaphore_mem>>
    %dma_start3A_38 = tpu.memref_squeeze %dma_start3A_37 : memref<1x!tpu.dma_semaphore, #tpu.memory_space<semaphore_mem>> -> memref<!tpu.dma_semaphore, #tpu.memory_space<semaphore_mem>>
    tpu.enqueue_indirect_dma source(%dma_start3A_36 : memref<10008x128xf32, #tpu.memory_space<hbm>>) target(%dma_start3A_30 : memref<64x128xf32, #tpu.memory_space<vmem>>) offsets(%dma_start3A_33 : memref<64xi32, #tpu.memory_space<vmem>>) semaphore(%dma_start3A_38 : memref<!tpu.dma_semaphore, #tpu.memory_space<semaphore_mem>>)
    %dma_start3A_39 = arith.constant 2 : i32
    %dma_start3A_40 = arith.constant 1 : i32
    %dma_start3A_41 = arith.constant 2 : i32
    %dma_start3A_42 = arith.constant 2 : i32
    %dma_start3A_43 = arith.constant 0 : i32
    %dma_start3A_44 = arith.constant 0 : i32
    %dma_start3A_45 = tpu.memref_slice %arg8[%dma_start3A_41, %dma_start3A_43, %dma_start3A_44] : memref<6x64x128xf32, #tpu.memory_space<vmem>> -> memref<1x64x128xf32, #tpu.memory_space<vmem>>
    %dma_start3A_46 = tpu.memref_squeeze %dma_start3A_45 : memref<1x64x128xf32, #tpu.memory_space<vmem>> -> memref<64x128xf32, #tpu.memory_space<vmem>>
    %dma_start3A_47 = arith.constant 0 : i32
    %dma_start3A_48 = tpu.memref_slice %arg7[%dma_start3A_39, %dma_start3A_40, %dma_start3A_47] : memref<6x2x64xi32, #tpu.memory_space<vmem>> -> memref<1x1x64xi32, #tpu.memory_space<vmem>>
    %dma_start3A_49 = tpu.memref_squeeze %dma_start3A_48 : memref<1x1x64xi32, #tpu.memory_space<vmem>> -> memref<64xi32, #tpu.memory_space<vmem>>
    %dma_start3A_50 = arith.constant 0 : i32
    %dma_start3A_51 = arith.constant 0 : i32
    %dma_start3A_52 = tpu.memref_slice %arg2[%dma_start3A_50, %dma_start3A_51] : memref<10008x128xf32, #tpu.memory_space<hbm>> -> memref<10008x128xf32, #tpu.memory_space<hbm>>
    %dma_start3A_53 = tpu.memref_slice %arg10[%dma_start3A_42] : memref<6x!tpu.dma_semaphore, #tpu.memory_space<semaphore_mem>> -> memref<1x!tpu.dma_semaphore, #tpu.memory_space<semaphore_mem>>
    %dma_start3A_54 = tpu.memref_squeeze %dma_start3A_53 : memref<1x!tpu.dma_semaphore, #tpu.memory_space<semaphore_mem>> -> memref<!tpu.dma_semaphore, #tpu.memory_space<semaphore_mem>>
    tpu.enqueue_indirect_dma source(%dma_start3A_52 : memref<10008x128xf32, #tpu.memory_space<hbm>>) target(%dma_start3A_46 : memref<64x128xf32, #tpu.memory_space<vmem>>) offsets(%dma_start3A_49 : memref<64xi32, #tpu.memory_space<vmem>>) semaphore(%dma_start3A_54 : memref<!tpu.dma_semaphore, #tpu.memory_space<semaphore_mem>>)
    %dma_start3A_55 = arith.constant 3 : i32
    %dma_start3A_56 = arith.constant 1 : i32
    %dma_start3A_57 = arith.constant 3 : i32
    %dma_start3A_58 = arith.constant 3 : i32
    %dma_start3A_59 = arith.constant 0 : i32
    %dma_start3A_60 = arith.constant 0 : i32
    %dma_start3A_61 = tpu.memref_slice %arg8[%dma_start3A_57, %dma_start3A_59, %dma_start3A_60] : memref<6x64x128xf32, #tpu.memory_space<vmem>> -> memref<1x64x128xf32, #tpu.memory_space<vmem>>
    %dma_start3A_62 = tpu.memref_squeeze %dma_start3A_61 : memref<1x64x128xf32, #tpu.memory_space<vmem>> -> memref<64x128xf32, #tpu.memory_space<vmem>>
    %dma_start3A_63 = arith.constant 0 : i32
    %dma_start3A_64 = tpu.memref_slice %arg7[%dma_start3A_55, %dma_start3A_56, %dma_start3A_63] : memref<6x2x64xi32, #tpu.memory_space<vmem>> -> memref<1x1x64xi32, #tpu.memory_space<vmem>>
    %dma_start3A_65 = tpu.memref_squeeze %dma_start3A_64 : memref<1x1x64xi32, #tpu.memory_space<vmem>> -> memref<64xi32, #tpu.memory_space<vmem>>
    %dma_start3A_66 = arith.constant 0 : i32
    %dma_start3A_67 = arith.constant 0 : i32
    %dma_start3A_68 = tpu.memref_slice %arg2[%dma_start3A_66, %dma_start3A_67] : memref<10008x128xf32, #tpu.memory_space<hbm>> -> memref<10008x128xf32, #tpu.memory_space<hbm>>
    %dma_start3A_69 = tpu.memref_slice %arg10[%dma_start3A_58] : memref<6x!tpu.dma_semaphore, #tpu.memory_space<semaphore_mem>> -> memref<1x!tpu.dma_semaphore, #tpu.memory_space<semaphore_mem>>
    %dma_start3A_70 = tpu.memref_squeeze %dma_start3A_69 : memref<1x!tpu.dma_semaphore, #tpu.memory_space<semaphore_mem>> -> memref<!tpu.dma_semaphore, #tpu.memory_space<semaphore_mem>>
    tpu.enqueue_indirect_dma source(%dma_start3A_68 : memref<10008x128xf32, #tpu.memory_space<hbm>>) target(%dma_start3A_62 : memref<64x128xf32, #tpu.memory_space<vmem>>) offsets(%dma_start3A_65 : memref<64xi32, #tpu.memory_space<vmem>>) semaphore(%dma_start3A_70 : memref<!tpu.dma_semaphore, #tpu.memory_space<semaphore_mem>>)
    %dma_start3A_71 = arith.constant 4 : i32
    %dma_start3A_72 = arith.constant 1 : i32
    %dma_start3A_73 = arith.constant 4 : i32
    %dma_start3A_74 = arith.constant 4 : i32
    %dma_start3A_75 = arith.constant 0 : i32
    %dma_start3A_76 = arith.constant 0 : i32
    %dma_start3A_77 = tpu.memref_slice %arg8[%dma_start3A_73, %dma_start3A_75, %dma_start3A_76] : memref<6x64x128xf32, #tpu.memory_space<vmem>> -> memref<1x64x128xf32, #tpu.memory_space<vmem>>
    %dma_start3A_78 = tpu.memref_squeeze %dma_start3A_77 : memref<1x64x128xf32, #tpu.memory_space<vmem>> -> memref<64x128xf32, #tpu.memory_space<vmem>>
    %dma_start3A_79 = arith.constant 0 : i32
    %dma_start3A_80 = tpu.memref_slice %arg7[%dma_start3A_71, %dma_start3A_72, %dma_start3A_79] : memref<6x2x64xi32, #tpu.memory_space<vmem>> -> memref<1x1x64xi32, #tpu.memory_space<vmem>>
    %dma_start3A_81 = tpu.memref_squeeze %dma_start3A_80 : memref<1x1x64xi32, #tpu.memory_space<vmem>> -> memref<64xi32, #tpu.memory_space<vmem>>
    %dma_start3A_82 = arith.constant 0 : i32
    %dma_start3A_83 = arith.constant 0 : i32
    %dma_start3A_84 = tpu.memref_slice %arg2[%dma_start3A_82, %dma_start3A_83] : memref<10008x128xf32, #tpu.memory_space<hbm>> -> memref<10008x128xf32, #tpu.memory_space<hbm>>
    %dma_start3A_85 = tpu.memref_slice %arg10[%dma_start3A_74] : memref<6x!tpu.dma_semaphore, #tpu.memory_space<semaphore_mem>> -> memref<1x!tpu.dma_semaphore, #tpu.memory_space<semaphore_mem>>
    %dma_start3A_86 = tpu.memref_squeeze %dma_start3A_85 : memref<1x!tpu.dma_semaphore, #tpu.memory_space<semaphore_mem>> -> memref<!tpu.dma_semaphore, #tpu.memory_space<semaphore_mem>>
    tpu.enqueue_indirect_dma source(%dma_start3A_84 : memref<10008x128xf32, #tpu.memory_space<hbm>>) target(%dma_start3A_78 : memref<64x128xf32, #tpu.memory_space<vmem>>) offsets(%dma_start3A_81 : memref<64xi32, #tpu.memory_space<vmem>>) semaphore(%dma_start3A_86 : memref<!tpu.dma_semaphore, #tpu.memory_space<semaphore_mem>>)
    %scan3A = arith.constant 0 : i32
    %scan3A_87 = arith.constant 0 : i32
    %scan3A_88 = arith.constant 160 : i32
    %scan3A_89 = arith.addi %scan3A_87, %scan3A_88 : i32
    %scan3A_90 = arith.constant 1 : i32
    scf.for %scan3A_102 = %scan3A_87 to %scan3A_89 step %scan3A_90  : i32 {
      %rem3A = arith.constant 6 : i32
      %rem3A_103 = arith.remsi %scan3A_102, %rem3A : i32
      %add3A_104 = arith.constant 6 : i32
      %add3A_105 = arith.addi %scan3A_102, %add3A_104 : i32
      %sub3A = arith.constant 1 : i32
      %sub3A_106 = arith.subi %add3A_105, %sub3A : i32
      %rem3A_107 = arith.constant 6 : i32
      %rem3A_108 = arith.remsi %sub3A_106, %rem3A_107 : i32
      %dma_wait3A = arith.constant 1 : i32
      %dma_wait3A_109 = arith.constant 0 : i32
      %dma_wait3A_110 = arith.constant 0 : i32
      %dma_wait3A_111 = tpu.memref_slice %arg8[%rem3A_103, %dma_wait3A_109, %dma_wait3A_110] : memref<6x64x128xf32, #tpu.memory_space<vmem>> -> memref<1x64x128xf32, #tpu.memory_space<vmem>>
      %dma_wait3A_112 = tpu.memref_squeeze %dma_wait3A_111 : memref<1x64x128xf32, #tpu.memory_space<vmem>> -> memref<64x128xf32, #tpu.memory_space<vmem>>
      %dma_wait3A_113 = arith.constant 0 : i32
      %dma_wait3A_114 = tpu.memref_slice %arg7[%rem3A_103, %dma_wait3A, %dma_wait3A_113] : memref<6x2x64xi32, #tpu.memory_space<vmem>> -> memref<1x1x64xi32, #tpu.memory_space<vmem>>
      %dma_wait3A_115 = tpu.memref_squeeze %dma_wait3A_114 : memref<1x1x64xi32, #tpu.memory_space<vmem>> -> memref<64xi32, #tpu.memory_space<vmem>>
      %dma_wait3A_116 = arith.constant 0 : i32
      %dma_wait3A_117 = arith.constant 0 : i32
      %dma_wait3A_118 = tpu.memref_slice %arg2[%dma_wait3A_116, %dma_wait3A_117] : memref<10008x128xf32, #tpu.memory_space<hbm>> -> memref<10008x128xf32, #tpu.memory_space<hbm>>
      %dma_wait3A_119 = tpu.memref_slice %arg10[%rem3A_103] : memref<6x!tpu.dma_semaphore, #tpu.memory_space<semaphore_mem>> -> memref<1x!tpu.dma_semaphore, #tpu.memory_space<semaphore_mem>>
      %dma_wait3A_120 = tpu.memref_squeeze %dma_wait3A_119 : memref<1x!tpu.dma_semaphore, #tpu.memory_space<semaphore_mem>> -> memref<!tpu.dma_semaphore, #tpu.memory_space<semaphore_mem>>
      tpu.wait_indirect_dma semaphore(%dma_wait3A_120 : memref<!tpu.dma_semaphore, #tpu.memory_space<semaphore_mem>>) src(%dma_wait3A_118 : memref<10008x128xf32, #tpu.memory_space<hbm>>) dst(%dma_wait3A_112 : memref<64x128xf32, #tpu.memory_space<vmem>>)
      %add3A_121 = arith.constant 6 : i32
      %add3A_122 = arith.addi %scan3A_102, %add3A_121 : i32
      %lt3A = arith.constant 160 : i32
      %lt3A_123 = arith.cmpi slt, %add3A_122, %lt3A : i32
      %convert_element_type3A_124 = arith.extui %lt3A_123 : i1 to i32
      %cond3A_125 = arith.constant 0 : i32
      %cond3A_126 = arith.cmpi ne, %convert_element_type3A_124, %cond3A_125 : i32
      scf.if %cond3A_126 {
        %add3A_136 = arith.constant 6 : i32
        %add3A_137 = arith.addi %scan3A_102, %add3A_136 : i32
        %dma_start3A_138 = arith.constant 0 : i32
        %dma_start3A_139 = arith.constant 0 : i32
        %dma_start3A_140 = tpu.memref_slice %arg7[%rem3A_103, %dma_start3A_138, %dma_start3A_139] : memref<6x2x64xi32, #tpu.memory_space<vmem>> -> memref<1x2x64xi32, #tpu.memory_space<vmem>>
        %dma_start3A_141 = tpu.memref_squeeze %dma_start3A_140 : memref<1x2x64xi32, #tpu.memory_space<vmem>> -> memref<2x64xi32, #tpu.memory_space<vmem>>
        %dma_start3A_142 = arith.constant 0 : i32
        %dma_start3A_143 = arith.constant 0 : i32
        %dma_start3A_144 = tpu.memref_slice %arg4[%add3A, %add3A_137, %dma_start3A_142, %dma_start3A_143] : memref<32x160x2x64xi32, #tpu.memory_space<hbm>> -> memref<1x1x2x64xi32, #tpu.memory_space<hbm>>
        %dma_start3A_145 = tpu.memref_squeeze %dma_start3A_144 : memref<1x1x2x64xi32, #tpu.memory_space<hbm>> -> memref<2x64xi32, #tpu.memory_space<hbm>>
        %dma_start3A_146 = tpu.memref_slice %arg9[%rem3A_103] : memref<6x!tpu.dma_semaphore, #tpu.memory_space<semaphore_mem>> -> memref<1x!tpu.dma_semaphore, #tpu.memory_space<semaphore_mem>>
        %dma_start3A_147 = tpu.memref_squeeze %dma_start3A_146 : memref<1x!tpu.dma_semaphore, #tpu.memory_space<semaphore_mem>> -> memref<!tpu.dma_semaphore, #tpu.memory_space<semaphore_mem>>
        %dma_start3A_148 = arith.constant 0 : i32
        %dma_start3A_149 = arith.constant 0 : i32
        %dma_start3A_150 = tpu.memref_slice %arg7[%rem3A_103, %dma_start3A_148, %dma_start3A_149] : memref<6x2x64xi32, #tpu.memory_space<vmem>> -> memref<1x2x64xi32, #tpu.memory_space<vmem>>
        %dma_start3A_151 = tpu.memref_squeeze %dma_start3A_150 : memref<1x2x64xi32, #tpu.memory_space<vmem>> -> memref<2x64xi32, #tpu.memory_space<vmem>>
        %dma_start3A_152 = arith.constant 0 : i32
        %dma_start3A_153 = arith.constant 0 : i32
        %dma_start3A_154 = tpu.memref_slice %arg4[%add3A, %add3A_137, %dma_start3A_152, %dma_start3A_153] : memref<32x160x2x64xi32, #tpu.memory_space<hbm>> -> memref<1x1x2x64xi32, #tpu.memory_space<hbm>>
        %dma_start3A_155 = tpu.memref_squeeze %dma_start3A_154 : memref<1x1x2x64xi32, #tpu.memory_space<hbm>> -> memref<2x64xi32, #tpu.memory_space<hbm>>
        tpu.enqueue_dma source(%dma_start3A_155 : memref<2x64xi32, #tpu.memory_space<hbm>>) target(%dma_start3A_151 : memref<2x64xi32, #tpu.memory_space<vmem>>) target_semaphore(%dma_start3A_147 : memref<!tpu.dma_semaphore, #tpu.memory_space<semaphore_mem>>)
      } else {
      }
      %add3A_127 = arith.constant 6 : i32
      %add3A_128 = arith.addi %scan3A_102, %add3A_127 : i32
      %sub3A_129 = arith.constant 1 : i32
      %sub3A_130 = arith.subi %add3A_128, %sub3A_129 : i32
      %lt3A_131 = arith.constant 160 : i32
      %lt3A_132 = arith.cmpi slt, %sub3A_130, %lt3A_131 : i32
      %convert_element_type3A_133 = arith.extui %lt3A_132 : i1 to i32
      %cond3A_134 = arith.constant 0 : i32
      %cond3A_135 = arith.cmpi ne, %convert_element_type3A_133, %cond3A_134 : i32
      scf.if %cond3A_135 {
        %ge3A = arith.constant 1 : i32
        %ge3A_136 = arith.cmpi sge, %scan3A_102, %ge3A : i32
        %convert_element_type3A_137 = arith.extui %ge3A_136 : i1 to i32
        %cond3A_138 = arith.constant 0 : i32
        %cond3A_139 = arith.cmpi ne, %convert_element_type3A_137, %cond3A_138 : i32
        scf.if %cond3A_139 {
          %add3A_153 = arith.constant 6 : i32
          %add3A_154 = arith.addi %scan3A_102, %add3A_153 : i32
          %sub3A_155 = arith.constant 1 : i32
          %sub3A_156 = arith.subi %add3A_154, %sub3A_155 : i32
          %dma_wait3A_157 = arith.constant 0 : i32
          %dma_wait3A_158 = arith.constant 0 : i32
          %dma_wait3A_159 = tpu.memref_slice %arg7[%rem3A_108, %dma_wait3A_157, %dma_wait3A_158] : memref<6x2x64xi32, #tpu.memory_space<vmem>> -> memref<1x2x64xi32, #tpu.memory_space<vmem>>
          %dma_wait3A_160 = tpu.memref_squeeze %dma_wait3A_159 : memref<1x2x64xi32, #tpu.memory_space<vmem>> -> memref<2x64xi32, #tpu.memory_space<vmem>>
          %dma_wait3A_161 = arith.constant 0 : i32
          %dma_wait3A_162 = arith.constant 0 : i32
          %dma_wait3A_163 = tpu.memref_slice %arg4[%add3A, %sub3A_156, %dma_wait3A_161, %dma_wait3A_162] : memref<32x160x2x64xi32, #tpu.memory_space<hbm>> -> memref<1x1x2x64xi32, #tpu.memory_space<hbm>>
          %dma_wait3A_164 = tpu.memref_squeeze %dma_wait3A_163 : memref<1x1x2x64xi32, #tpu.memory_space<hbm>> -> memref<2x64xi32, #tpu.memory_space<hbm>>
          %dma_wait3A_165 = tpu.memref_slice %arg9[%rem3A_108] : memref<6x!tpu.dma_semaphore, #tpu.memory_space<semaphore_mem>> -> memref<1x!tpu.dma_semaphore, #tpu.memory_space<semaphore_mem>>
          %dma_wait3A_166 = tpu.memref_squeeze %dma_wait3A_165 : memref<1x!tpu.dma_semaphore, #tpu.memory_space<semaphore_mem>> -> memref<!tpu.dma_semaphore, #tpu.memory_space<semaphore_mem>>
          %dma_wait3A_167 = arith.constant 0 : i32
          %dma_wait3A_168 = arith.constant 0 : i32
          %dma_wait3A_169 = tpu.memref_slice %arg7[%rem3A_108, %dma_wait3A_167, %dma_wait3A_168] : memref<6x2x64xi32, #tpu.memory_space<vmem>> -> memref<1x2x64xi32, #tpu.memory_space<vmem>>
          %dma_wait3A_170 = tpu.memref_squeeze %dma_wait3A_169 : memref<1x2x64xi32, #tpu.memory_space<vmem>> -> memref<2x64xi32, #tpu.memory_space<vmem>>
          %dma_wait3A_171 = arith.constant 0 : i32
          %dma_wait3A_172 = arith.constant 0 : i32
          %dma_wait3A_173 = tpu.memref_slice %arg4[%add3A, %sub3A_156, %dma_wait3A_171, %dma_wait3A_172] : memref<32x160x2x64xi32, #tpu.memory_space<hbm>> -> memref<1x1x2x64xi32, #tpu.memory_space<hbm>>
          %dma_wait3A_174 = tpu.memref_squeeze %dma_wait3A_173 : memref<1x1x2x64xi32, #tpu.memory_space<hbm>> -> memref<2x64xi32, #tpu.memory_space<hbm>>
          tpu.wait_dma2 semaphore(%dma_wait3A_166 : memref<!tpu.dma_semaphore, #tpu.memory_space<semaphore_mem>>) src(%dma_wait3A_174 : memref<2x64xi32, #tpu.memory_space<hbm>>) dst(%dma_wait3A_170 : memref<2x64xi32, #tpu.memory_space<vmem>>)
        } else {
        }
        %dma_start3A_140 = arith.constant 1 : i32
        %dma_start3A_141 = arith.constant 0 : i32
        %dma_start3A_142 = arith.constant 0 : i32
        %dma_start3A_143 = tpu.memref_slice %arg8[%rem3A_108, %dma_start3A_141, %dma_start3A_142] : memref<6x64x128xf32, #tpu.memory_space<vmem>> -> memref<1x64x128xf32, #tpu.memory_space<vmem>>
        %dma_start3A_144 = tpu.memref_squeeze %dma_start3A_143 : memref<1x64x128xf32, #tpu.memory_space<vmem>> -> memref<64x128xf32, #tpu.memory_space<vmem>>
        %dma_start3A_145 = arith.constant 0 : i32
        %dma_start3A_146 = tpu.memref_slice %arg7[%rem3A_108, %dma_start3A_140, %dma_start3A_145] : memref<6x2x64xi32, #tpu.memory_space<vmem>> -> memref<1x1x64xi32, #tpu.memory_space<vmem>>
        %dma_start3A_147 = tpu.memref_squeeze %dma_start3A_146 : memref<1x1x64xi32, #tpu.memory_space<vmem>> -> memref<64xi32, #tpu.memory_space<vmem>>
        %dma_start3A_148 = arith.constant 0 : i32
        %dma_start3A_149 = arith.constant 0 : i32
        %dma_start3A_150 = tpu.memref_slice %arg2[%dma_start3A_148, %dma_start3A_149] : memref<10008x128xf32, #tpu.memory_space<hbm>> -> memref<10008x128xf32, #tpu.memory_space<hbm>>
        %dma_start3A_151 = tpu.memref_slice %arg10[%rem3A_108] : memref<6x!tpu.dma_semaphore, #tpu.memory_space<semaphore_mem>> -> memref<1x!tpu.dma_semaphore, #tpu.memory_space<semaphore_mem>>
        %dma_start3A_152 = tpu.memref_squeeze %dma_start3A_151 : memref<1x!tpu.dma_semaphore, #tpu.memory_space<semaphore_mem>> -> memref<!tpu.dma_semaphore, #tpu.memory_space<semaphore_mem>>
        tpu.enqueue_indirect_dma source(%dma_start3A_150 : memref<10008x128xf32, #tpu.memory_space<hbm>>) target(%dma_start3A_144 : memref<64x128xf32, #tpu.memory_space<vmem>>) offsets(%dma_start3A_147 : memref<64xi32, #tpu.memory_space<vmem>>) semaphore(%dma_start3A_152 : memref<!tpu.dma_semaphore, #tpu.memory_space<semaphore_mem>>)
      } else {
      }
    }
    %scan3A_91 = arith.constant 160 : i32
    %barrier3A_92 = arith.constant 0 : index
    tpu.barrier barrier_id(%barrier3A_92)
    %mul3A_93 = arith.constant 624 : i32
    %mul3A_94 = arith.muli %arg1, %mul3A_93 : i32
    %mul3A_95 = arith.constant 624 : i32
    %mul3A_96 = arith.muli %arg1, %mul3A_95 : i32
    "tpu.region"() ({
      %run_scoped3A = tpu.sem_alloc : memref<!tpu.dma_semaphore, #tpu.memory_space<semaphore_mem>>
      %dma_start3A_102 = arith.constant 0 : i32
      %dma_start3A_103 = tpu.memref_slice %arg6[%arg0, %mul3A_96, %dma_start3A_102] : memref<2x10000x128xf32, #tpu.memory_space<hbm>> -> memref<1x624x128xf32, #tpu.memory_space<hbm>>
      %dma_start3A_104 = tpu.memref_squeeze %dma_start3A_103 : memref<1x624x128xf32, #tpu.memory_space<hbm>> -> memref<624x128xf32, #tpu.memory_space<hbm>>
      %dma_start3A_105 = arith.constant 0 : i32
      %dma_start3A_106 = tpu.memref_slice %arg11[%mul3A_94, %dma_start3A_105] : memref<10000x128xf32, #tpu.memory_space<vmem_shared>> -> memref<624x128xf32, #tpu.memory_space<vmem_shared>>
      tpu.enqueue_dma source(%dma_start3A_106 : memref<624x128xf32, #tpu.memory_space<vmem_shared>>) target(%dma_start3A_104 : memref<624x128xf32, #tpu.memory_space<hbm>>) target_semaphore(%run_scoped3A : memref<!tpu.dma_semaphore, #tpu.memory_space<semaphore_mem>>)
      %dma_wait3A = arith.constant 0 : i32
      %dma_wait3A_107 = tpu.memref_slice %arg6[%arg0, %mul3A_96, %dma_wait3A] : memref<2x10000x128xf32, #tpu.memory_space<hbm>> -> memref<1x624x128xf32, #tpu.memory_space<hbm>>
      %dma_wait3A_108 = tpu.memref_squeeze %dma_wait3A_107 : memref<1x624x128xf32, #tpu.memory_space<hbm>> -> memref<624x128xf32, #tpu.memory_space<hbm>>
      %dma_wait3A_109 = arith.constant 0 : i32
      %dma_wait3A_110 = tpu.memref_slice %arg11[%mul3A_94, %dma_wait3A_109] : memref<10000x128xf32, #tpu.memory_space<vmem_shared>> -> memref<624x128xf32, #tpu.memory_space<vmem_shared>>
      tpu.wait_dma2 semaphore(%run_scoped3A : memref<!tpu.dma_semaphore, #tpu.memory_space<semaphore_mem>>) src(%dma_wait3A_110 : memref<624x128xf32, #tpu.memory_space<vmem_shared>>) dst(%dma_wait3A_108 : memref<624x128xf32, #tpu.memory_space<hbm>>)
      tpu.yield
    }) : () -> ()
    %eq3A_97 = arith.constant 15 : i32
    %eq3A_98 = arith.cmpi eq, %arg1, %eq3A_97 : i32
    %convert_element_type3A_99 = arith.extui %eq3A_98 : i1 to i32
    %cond3A_100 = arith.constant 0 : i32
    %cond3A_101 = arith.cmpi ne, %convert_element_type3A_99, %cond3A_100 : i32
    scf.if %cond3A_101 {
      "tpu.region"() ({
        %run_scoped3A = tpu.sem_alloc : memref<!tpu.dma_semaphore, #tpu.memory_space<semaphore_mem>>
        %dma_start3A_102 = arith.constant 9984 : i32
        %dma_start3A_103 = arith.constant 0 : i32
        %dma_start3A_104 = tpu.memref_slice %arg6[%arg0, %dma_start3A_102, %dma_start3A_103] : memref<2x10000x128xf32, #tpu.memory_space<hbm>> -> memref<1x16x128xf32, #tpu.memory_space<hbm>>
        %dma_start3A_105 = tpu.memref_squeeze %dma_start3A_104 : memref<1x16x128xf32, #tpu.memory_space<hbm>> -> memref<16x128xf32, #tpu.memory_space<hbm>>
        %dma_start3A_106 = arith.constant 9984 : i32
        %dma_start3A_107 = arith.constant 0 : i32
        %dma_start3A_108 = tpu.memref_slice %arg11[%dma_start3A_106, %dma_start3A_107] : memref<10000x128xf32, #tpu.memory_space<vmem_shared>> -> memref<16x128xf32, #tpu.memory_space<vmem_shared>>
        tpu.enqueue_dma source(%dma_start3A_108 : memref<16x128xf32, #tpu.memory_space<vmem_shared>>) target(%dma_start3A_105 : memref<16x128xf32, #tpu.memory_space<hbm>>) target_semaphore(%run_scoped3A : memref<!tpu.dma_semaphore, #tpu.memory_space<semaphore_mem>>)
        %dma_wait3A = arith.constant 9984 : i32
        %dma_wait3A_109 = arith.constant 0 : i32
        %dma_wait3A_110 = tpu.memref_slice %arg6[%arg0, %dma_wait3A, %dma_wait3A_109] : memref<2x10000x128xf32, #tpu.memory_space<hbm>> -> memref<1x16x128xf32, #tpu.memory_space<hbm>>
        %dma_wait3A_111 = tpu.memref_squeeze %dma_wait3A_110 : memref<1x16x128xf32, #tpu.memory_space<hbm>> -> memref<16x128xf32, #tpu.memory_space<hbm>>
        %dma_wait3A_112 = arith.constant 9984 : i32
        %dma_wait3A_113 = arith.constant 0 : i32
        %dma_wait3A_114 = tpu.memref_slice %arg11[%dma_wait3A_112, %dma_wait3A_113] : memref<10000x128xf32, #tpu.memory_space<vmem_shared>> -> memref<16x128xf32, #tpu.memory_space<vmem_shared>>
        tpu.wait_dma2 semaphore(%run_scoped3A : memref<!tpu.dma_semaphore, #tpu.memory_space<semaphore_mem>>) src(%dma_wait3A_114 : memref<16x128xf32, #tpu.memory_space<vmem_shared>>) dst(%dma_wait3A_111 : memref<16x128xf32, #tpu.memory_space<hbm>>)
        tpu.yield
      }) : () -> ()
    } else {
    }
    return
  }
}

#map = affine_map<(d0, d1) -> (0, 0)>
#map1 = affine_map<(d0, d1) -> (0, 0, 0, 0)>
#map2 = affine_map<(d0, d1) -> (0, 0, 0)>
module attributes {stable_mosaic.version = 14 : i64} {
  func.func @_agg_body(%arg0: i32, %arg1: i32, %arg2: memref<10008x128xf32, #tpu.memory_space<hbm>>, %arg3: memref<10000x128xf32, #tpu.memory_space<hbm>>, %arg4: memref<32x160x2x64xi32, #tpu.memory_space<hbm>>, %arg5: memref<10000x128xf32, #tpu.memory_space<hbm>>, %arg6: memref<2x10000x128xf32, #tpu.memory_space<hbm>>, %arg7: memref<6x2x64xi32, #tpu.memory_space<vmem>>, %arg8: memref<6x64x128xf32, #tpu.memory_space<vmem>>, %arg9: memref<6x!tpu.dma_semaphore, #tpu.memory_space<semaphore_mem>>, %arg10: memref<6x!tpu.dma_semaphore, #tpu.memory_space<semaphore_mem>>, %arg11: memref<10000x128xf32, #tpu.memory_space<vmem_shared>>) attributes {dimension_semantics = [#tpu.dimension_semantics<core_parallel>, #tpu.dimension_semantics<subcore_parallel>], iteration_bounds = array<i64: 2, 16>, scalar_prefetch = 0 : i64, scratch_operands = 5 : i64, tpu.core_type = #tpu.core_type<sc_vector_subcore>, window_params = [{transform_indices = #map}, {transform_indices = #map}, {transform_indices = #map1}, {transform_indices = #map}, {transform_indices = #map2}]} {
    %mul3A = arith.constant 16 : i32
    %mul3A_0 = arith.muli %arg0, %mul3A : i32
    %add3A = arith.addi %mul3A_0, %arg1 : i32
    %eq3A = arith.constant 0 : i32
    %eq3A_1 = arith.cmpi eq, %arg0, %eq3A : i32
    %convert_element_type3A = arith.extui %eq3A_1 : i1 to i32
    %cond3A = arith.constant 0 : i32
    %cond3A_2 = arith.cmpi ne, %convert_element_type3A, %cond3A : i32
    scf.if %cond3A_2 {
      %mul3A_102 = arith.constant 624 : i32
      %mul3A_103 = arith.muli %arg1, %mul3A_102 : i32
      %mul3A_104 = arith.constant 624 : i32
      %mul3A_105 = arith.muli %arg1, %mul3A_104 : i32
      "tpu.region"() ({
        %run_scoped3A = tpu.sem_alloc : memref<!tpu.dma_semaphore, #tpu.memory_space<semaphore_mem>>
        %dma_start3A_111 = arith.constant 0 : i32
        %dma_start3A_112 = tpu.memref_slice %arg11[%mul3A_105, %dma_start3A_111] : memref<10000x128xf32, #tpu.memory_space<vmem_shared>> -> memref<624x128xf32, #tpu.memory_space<vmem_shared>>
        %dma_start3A_113 = arith.constant 0 : i32
        %dma_start3A_114 = tpu.memref_slice %arg3[%mul3A_103, %dma_start3A_113] : memref<10000x128xf32, #tpu.memory_space<hbm>> -> memref<624x128xf32, #tpu.memory_space<hbm>>
        tpu.enqueue_dma source(%dma_start3A_114 : memref<624x128xf32, #tpu.memory_space<hbm>>) target(%dma_start3A_112 : memref<624x128xf32, #tpu.memory_space<vmem_shared>>) target_semaphore(%run_scoped3A : memref<!tpu.dma_semaphore, #tpu.memory_space<semaphore_mem>>)
        %dma_wait3A = arith.constant 0 : i32
        %dma_wait3A_115 = tpu.memref_slice %arg11[%mul3A_105, %dma_wait3A] : memref<10000x128xf32, #tpu.memory_space<vmem_shared>> -> memref<624x128xf32, #tpu.memory_space<vmem_shared>>
        %dma_wait3A_116 = arith.constant 0 : i32
        %dma_wait3A_117 = tpu.memref_slice %arg3[%mul3A_103, %dma_wait3A_116] : memref<10000x128xf32, #tpu.memory_space<hbm>> -> memref<624x128xf32, #tpu.memory_space<hbm>>
        tpu.wait_dma2 semaphore(%run_scoped3A : memref<!tpu.dma_semaphore, #tpu.memory_space<semaphore_mem>>) src(%dma_wait3A_117 : memref<624x128xf32, #tpu.memory_space<hbm>>) dst(%dma_wait3A_115 : memref<624x128xf32, #tpu.memory_space<vmem_shared>>)
        tpu.yield
      }) : () -> ()
      %eq3A_106 = arith.constant 15 : i32
      %eq3A_107 = arith.cmpi eq, %arg1, %eq3A_106 : i32
      %convert_element_type3A_108 = arith.extui %eq3A_107 : i1 to i32
      %cond3A_109 = arith.constant 0 : i32
      %cond3A_110 = arith.cmpi ne, %convert_element_type3A_108, %cond3A_109 : i32
      scf.if %cond3A_110 {
        "tpu.region"() ({
          %run_scoped3A = tpu.sem_alloc : memref<!tpu.dma_semaphore, #tpu.memory_space<semaphore_mem>>
          %dma_start3A_111 = arith.constant 9984 : i32
          %dma_start3A_112 = arith.constant 0 : i32
          %dma_start3A_113 = tpu.memref_slice %arg11[%dma_start3A_111, %dma_start3A_112] : memref<10000x128xf32, #tpu.memory_space<vmem_shared>> -> memref<16x128xf32, #tpu.memory_space<vmem_shared>>
          %dma_start3A_114 = arith.constant 9984 : i32
          %dma_start3A_115 = arith.constant 0 : i32
          %dma_start3A_116 = tpu.memref_slice %arg3[%dma_start3A_114, %dma_start3A_115] : memref<10000x128xf32, #tpu.memory_space<hbm>> -> memref<16x128xf32, #tpu.memory_space<hbm>>
          tpu.enqueue_dma source(%dma_start3A_116 : memref<16x128xf32, #tpu.memory_space<hbm>>) target(%dma_start3A_113 : memref<16x128xf32, #tpu.memory_space<vmem_shared>>) target_semaphore(%run_scoped3A : memref<!tpu.dma_semaphore, #tpu.memory_space<semaphore_mem>>)
          %dma_wait3A = arith.constant 9984 : i32
          %dma_wait3A_117 = arith.constant 0 : i32
          %dma_wait3A_118 = tpu.memref_slice %arg11[%dma_wait3A, %dma_wait3A_117] : memref<10000x128xf32, #tpu.memory_space<vmem_shared>> -> memref<16x128xf32, #tpu.memory_space<vmem_shared>>
          %dma_wait3A_119 = arith.constant 9984 : i32
          %dma_wait3A_120 = arith.constant 0 : i32
          %dma_wait3A_121 = tpu.memref_slice %arg3[%dma_wait3A_119, %dma_wait3A_120] : memref<10000x128xf32, #tpu.memory_space<hbm>> -> memref<16x128xf32, #tpu.memory_space<hbm>>
          tpu.wait_dma2 semaphore(%run_scoped3A : memref<!tpu.dma_semaphore, #tpu.memory_space<semaphore_mem>>) src(%dma_wait3A_121 : memref<16x128xf32, #tpu.memory_space<hbm>>) dst(%dma_wait3A_118 : memref<16x128xf32, #tpu.memory_space<vmem_shared>>)
          tpu.yield
        }) : () -> ()
      } else {
      }
    } else {
    }
    %eq3A_3 = arith.constant 1 : i32
    %eq3A_4 = arith.cmpi eq, %arg0, %eq3A_3 : i32
    %convert_element_type3A_5 = arith.extui %eq3A_4 : i1 to i32
    %cond3A_6 = arith.constant 0 : i32
    %cond3A_7 = arith.cmpi ne, %convert_element_type3A_5, %cond3A_6 : i32
    scf.if %cond3A_7 {
      %mul3A_102 = arith.constant 624 : i32
      %mul3A_103 = arith.muli %arg1, %mul3A_102 : i32
      %mul3A_104 = arith.constant 624 : i32
      %mul3A_105 = arith.muli %arg1, %mul3A_104 : i32
      "tpu.region"() ({
        %run_scoped3A = tpu.sem_alloc : memref<!tpu.dma_semaphore, #tpu.memory_space<semaphore_mem>>
        %dma_start3A_111 = arith.constant 0 : i32
        %dma_start3A_112 = tpu.memref_slice %arg11[%mul3A_105, %dma_start3A_111] : memref<10000x128xf32, #tpu.memory_space<vmem_shared>> -> memref<624x128xf32, #tpu.memory_space<vmem_shared>>
        %dma_start3A_113 = arith.constant 0 : i32
        %dma_start3A_114 = tpu.memref_slice %arg5[%mul3A_103, %dma_start3A_113] : memref<10000x128xf32, #tpu.memory_space<hbm>> -> memref<624x128xf32, #tpu.memory_space<hbm>>
        tpu.enqueue_dma source(%dma_start3A_114 : memref<624x128xf32, #tpu.memory_space<hbm>>) target(%dma_start3A_112 : memref<624x128xf32, #tpu.memory_space<vmem_shared>>) target_semaphore(%run_scoped3A : memref<!tpu.dma_semaphore, #tpu.memory_space<semaphore_mem>>)
        %dma_wait3A = arith.constant 0 : i32
        %dma_wait3A_115 = tpu.memref_slice %arg11[%mul3A_105, %dma_wait3A] : memref<10000x128xf32, #tpu.memory_space<vmem_shared>> -> memref<624x128xf32, #tpu.memory_space<vmem_shared>>
        %dma_wait3A_116 = arith.constant 0 : i32
        %dma_wait3A_117 = tpu.memref_slice %arg5[%mul3A_103, %dma_wait3A_116] : memref<10000x128xf32, #tpu.memory_space<hbm>> -> memref<624x128xf32, #tpu.memory_space<hbm>>
        tpu.wait_dma2 semaphore(%run_scoped3A : memref<!tpu.dma_semaphore, #tpu.memory_space<semaphore_mem>>) src(%dma_wait3A_117 : memref<624x128xf32, #tpu.memory_space<hbm>>) dst(%dma_wait3A_115 : memref<624x128xf32, #tpu.memory_space<vmem_shared>>)
        tpu.yield
      }) : () -> ()
      %eq3A_106 = arith.constant 15 : i32
      %eq3A_107 = arith.cmpi eq, %arg1, %eq3A_106 : i32
      %convert_element_type3A_108 = arith.extui %eq3A_107 : i1 to i32
      %cond3A_109 = arith.constant 0 : i32
      %cond3A_110 = arith.cmpi ne, %convert_element_type3A_108, %cond3A_109 : i32
      scf.if %cond3A_110 {
        "tpu.region"() ({
          %run_scoped3A = tpu.sem_alloc : memref<!tpu.dma_semaphore, #tpu.memory_space<semaphore_mem>>
          %dma_start3A_111 = arith.constant 9984 : i32
          %dma_start3A_112 = arith.constant 0 : i32
          %dma_start3A_113 = tpu.memref_slice %arg11[%dma_start3A_111, %dma_start3A_112] : memref<10000x128xf32, #tpu.memory_space<vmem_shared>> -> memref<16x128xf32, #tpu.memory_space<vmem_shared>>
          %dma_start3A_114 = arith.constant 9984 : i32
          %dma_start3A_115 = arith.constant 0 : i32
          %dma_start3A_116 = tpu.memref_slice %arg5[%dma_start3A_114, %dma_start3A_115] : memref<10000x128xf32, #tpu.memory_space<hbm>> -> memref<16x128xf32, #tpu.memory_space<hbm>>
          tpu.enqueue_dma source(%dma_start3A_116 : memref<16x128xf32, #tpu.memory_space<hbm>>) target(%dma_start3A_113 : memref<16x128xf32, #tpu.memory_space<vmem_shared>>) target_semaphore(%run_scoped3A : memref<!tpu.dma_semaphore, #tpu.memory_space<semaphore_mem>>)
          %dma_wait3A = arith.constant 9984 : i32
          %dma_wait3A_117 = arith.constant 0 : i32
          %dma_wait3A_118 = tpu.memref_slice %arg11[%dma_wait3A, %dma_wait3A_117] : memref<10000x128xf32, #tpu.memory_space<vmem_shared>> -> memref<16x128xf32, #tpu.memory_space<vmem_shared>>
          %dma_wait3A_119 = arith.constant 9984 : i32
          %dma_wait3A_120 = arith.constant 0 : i32
          %dma_wait3A_121 = tpu.memref_slice %arg5[%dma_wait3A_119, %dma_wait3A_120] : memref<10000x128xf32, #tpu.memory_space<hbm>> -> memref<16x128xf32, #tpu.memory_space<hbm>>
          tpu.wait_dma2 semaphore(%run_scoped3A : memref<!tpu.dma_semaphore, #tpu.memory_space<semaphore_mem>>) src(%dma_wait3A_121 : memref<16x128xf32, #tpu.memory_space<hbm>>) dst(%dma_wait3A_118 : memref<16x128xf32, #tpu.memory_space<vmem_shared>>)
          tpu.yield
        }) : () -> ()
      } else {
      }
    } else {
    }
    "tpu.region"() ({
      %run_scoped3A = tpu.sem_alloc : memref<!tpu.dma_semaphore, #tpu.memory_space<semaphore_mem>>
      %dma_start3A_102 = arith.constant 0 : i32
      %dma_start3A_103 = arith.constant 0 : i32
      %dma_start3A_104 = arith.constant 0 : i32
      %dma_start3A_105 = tpu.memref_slice %arg4[%add3A, %dma_start3A_102, %dma_start3A_103, %dma_start3A_104] : memref<32x160x2x64xi32, #tpu.memory_space<hbm>> -> memref<1x6x2x64xi32, #tpu.memory_space<hbm>>
      %dma_start3A_106 = tpu.memref_squeeze %dma_start3A_105 : memref<1x6x2x64xi32, #tpu.memory_space<hbm>> -> memref<6x2x64xi32, #tpu.memory_space<hbm>>
      %dma_start3A_107 = arith.constant 0 : i32
      %dma_start3A_108 = arith.constant 0 : i32
      %dma_start3A_109 = arith.constant 0 : i32
      %dma_start3A_110 = tpu.memref_slice %arg4[%add3A, %dma_start3A_107, %dma_start3A_108, %dma_start3A_109] : memref<32x160x2x64xi32, #tpu.memory_space<hbm>> -> memref<1x6x2x64xi32, #tpu.memory_space<hbm>>
      %dma_start3A_111 = tpu.memref_squeeze %dma_start3A_110 : memref<1x6x2x64xi32, #tpu.memory_space<hbm>> -> memref<6x2x64xi32, #tpu.memory_space<hbm>>
      tpu.enqueue_dma source(%dma_start3A_111 : memref<6x2x64xi32, #tpu.memory_space<hbm>>) target(%arg7 : memref<6x2x64xi32, #tpu.memory_space<vmem>>) target_semaphore(%run_scoped3A : memref<!tpu.dma_semaphore, #tpu.memory_space<semaphore_mem>>)
      %dma_wait3A = arith.constant 0 : i32
      %dma_wait3A_112 = arith.constant 0 : i32
      %dma_wait3A_113 = arith.constant 0 : i32
      %dma_wait3A_114 = tpu.memref_slice %arg4[%add3A, %dma_wait3A, %dma_wait3A_112, %dma_wait3A_113] : memref<32x160x2x64xi32, #tpu.memory_space<hbm>> -> memref<1x6x2x64xi32, #tpu.memory_space<hbm>>
      %dma_wait3A_115 = tpu.memref_squeeze %dma_wait3A_114 : memref<1x6x2x64xi32, #tpu.memory_space<hbm>> -> memref<6x2x64xi32, #tpu.memory_space<hbm>>
      %dma_wait3A_116 = arith.constant 0 : i32
      %dma_wait3A_117 = arith.constant 0 : i32
      %dma_wait3A_118 = arith.constant 0 : i32
      %dma_wait3A_119 = tpu.memref_slice %arg4[%add3A, %dma_wait3A_116, %dma_wait3A_117, %dma_wait3A_118] : memref<32x160x2x64xi32, #tpu.memory_space<hbm>> -> memref<1x6x2x64xi32, #tpu.memory_space<hbm>>
      %dma_wait3A_120 = tpu.memref_squeeze %dma_wait3A_119 : memref<1x6x2x64xi32, #tpu.memory_space<hbm>> -> memref<6x2x64xi32, #tpu.memory_space<hbm>>
      tpu.wait_dma2 semaphore(%run_scoped3A : memref<!tpu.dma_semaphore, #tpu.memory_space<semaphore_mem>>) src(%dma_wait3A_120 : memref<6x2x64xi32, #tpu.memory_space<hbm>>) dst(%arg7 : memref<6x2x64xi32, #tpu.memory_space<vmem>>)
      tpu.yield
    }) : () -> ()
    %barrier3A = arith.constant 0 : index
    tpu.barrier barrier_id(%barrier3A)
    %dma_start3A = arith.constant 0 : i32
    %dma_start3A_8 = arith.constant 1 : i32
    %dma_start3A_9 = arith.constant 0 : i32
    %dma_start3A_10 = arith.constant 0 : i32
    %dma_start3A_11 = arith.constant 0 : i32
    %dma_start3A_12 = arith.constant 0 : i32
    %dma_start3A_13 = tpu.memref_slice %arg8[%dma_start3A_9, %dma_start3A_11, %dma_start3A_12] : memref<6x64x128xf32, #tpu.memory_space<vmem>> -> memref<1x64x128xf32, #tpu.memory_space<vmem>>
    %dma_start3A_14 = tpu.memref_squeeze %dma_start3A_13 : memref<1x64x128xf32, #tpu.memory_space<vmem>> -> memref<64x128xf32, #tpu.memory_space<vmem>>
    %dma_start3A_15 = arith.constant 0 : i32
    %dma_start3A_16 = tpu.memref_slice %arg7[%dma_start3A, %dma_start3A_8, %dma_start3A_15] : memref<6x2x64xi32, #tpu.memory_space<vmem>> -> memref<1x1x64xi32, #tpu.memory_space<vmem>>
    %dma_start3A_17 = tpu.memref_squeeze %dma_start3A_16 : memref<1x1x64xi32, #tpu.memory_space<vmem>> -> memref<64xi32, #tpu.memory_space<vmem>>
    %dma_start3A_18 = arith.constant 0 : i32
    %dma_start3A_19 = arith.constant 0 : i32
    %dma_start3A_20 = tpu.memref_slice %arg2[%dma_start3A_18, %dma_start3A_19] : memref<10008x128xf32, #tpu.memory_space<hbm>> -> memref<10008x128xf32, #tpu.memory_space<hbm>>
    %dma_start3A_21 = tpu.memref_slice %arg10[%dma_start3A_10] : memref<6x!tpu.dma_semaphore, #tpu.memory_space<semaphore_mem>> -> memref<1x!tpu.dma_semaphore, #tpu.memory_space<semaphore_mem>>
    %dma_start3A_22 = tpu.memref_squeeze %dma_start3A_21 : memref<1x!tpu.dma_semaphore, #tpu.memory_space<semaphore_mem>> -> memref<!tpu.dma_semaphore, #tpu.memory_space<semaphore_mem>>
    tpu.enqueue_indirect_dma source(%dma_start3A_20 : memref<10008x128xf32, #tpu.memory_space<hbm>>) target(%dma_start3A_14 : memref<64x128xf32, #tpu.memory_space<vmem>>) offsets(%dma_start3A_17 : memref<64xi32, #tpu.memory_space<vmem>>) semaphore(%dma_start3A_22 : memref<!tpu.dma_semaphore, #tpu.memory_space<semaphore_mem>>)
    %dma_start3A_23 = arith.constant 1 : i32
    %dma_start3A_24 = arith.constant 1 : i32
    %dma_start3A_25 = arith.constant 1 : i32
    %dma_start3A_26 = arith.constant 1 : i32
    %dma_start3A_27 = arith.constant 0 : i32
    %dma_start3A_28 = arith.constant 0 : i32
    %dma_start3A_29 = tpu.memref_slice %arg8[%dma_start3A_25, %dma_start3A_27, %dma_start3A_28] : memref<6x64x128xf32, #tpu.memory_space<vmem>> -> memref<1x64x128xf32, #tpu.memory_space<vmem>>
    %dma_start3A_30 = tpu.memref_squeeze %dma_start3A_29 : memref<1x64x128xf32, #tpu.memory_space<vmem>> -> memref<64x128xf32, #tpu.memory_space<vmem>>
    %dma_start3A_31 = arith.constant 0 : i32
    %dma_start3A_32 = tpu.memref_slice %arg7[%dma_start3A_23, %dma_start3A_24, %dma_start3A_31] : memref<6x2x64xi32, #tpu.memory_space<vmem>> -> memref<1x1x64xi32, #tpu.memory_space<vmem>>
    %dma_start3A_33 = tpu.memref_squeeze %dma_start3A_32 : memref<1x1x64xi32, #tpu.memory_space<vmem>> -> memref<64xi32, #tpu.memory_space<vmem>>
    %dma_start3A_34 = arith.constant 0 : i32
    %dma_start3A_35 = arith.constant 0 : i32
    %dma_start3A_36 = tpu.memref_slice %arg2[%dma_start3A_34, %dma_start3A_35] : memref<10008x128xf32, #tpu.memory_space<hbm>> -> memref<10008x128xf32, #tpu.memory_space<hbm>>
    %dma_start3A_37 = tpu.memref_slice %arg10[%dma_start3A_26] : memref<6x!tpu.dma_semaphore, #tpu.memory_space<semaphore_mem>> -> memref<1x!tpu.dma_semaphore, #tpu.memory_space<semaphore_mem>>
    %dma_start3A_38 = tpu.memref_squeeze %dma_start3A_37 : memref<1x!tpu.dma_semaphore, #tpu.memory_space<semaphore_mem>> -> memref<!tpu.dma_semaphore, #tpu.memory_space<semaphore_mem>>
    tpu.enqueue_indirect_dma source(%dma_start3A_36 : memref<10008x128xf32, #tpu.memory_space<hbm>>) target(%dma_start3A_30 : memref<64x128xf32, #tpu.memory_space<vmem>>) offsets(%dma_start3A_33 : memref<64xi32, #tpu.memory_space<vmem>>) semaphore(%dma_start3A_38 : memref<!tpu.dma_semaphore, #tpu.memory_space<semaphore_mem>>)
    %dma_start3A_39 = arith.constant 2 : i32
    %dma_start3A_40 = arith.constant 1 : i32
    %dma_start3A_41 = arith.constant 2 : i32
    %dma_start3A_42 = arith.constant 2 : i32
    %dma_start3A_43 = arith.constant 0 : i32
    %dma_start3A_44 = arith.constant 0 : i32
    %dma_start3A_45 = tpu.memref_slice %arg8[%dma_start3A_41, %dma_start3A_43, %dma_start3A_44] : memref<6x64x128xf32, #tpu.memory_space<vmem>> -> memref<1x64x128xf32, #tpu.memory_space<vmem>>
    %dma_start3A_46 = tpu.memref_squeeze %dma_start3A_45 : memref<1x64x128xf32, #tpu.memory_space<vmem>> -> memref<64x128xf32, #tpu.memory_space<vmem>>
    %dma_start3A_47 = arith.constant 0 : i32
    %dma_start3A_48 = tpu.memref_slice %arg7[%dma_start3A_39, %dma_start3A_40, %dma_start3A_47] : memref<6x2x64xi32, #tpu.memory_space<vmem>> -> memref<1x1x64xi32, #tpu.memory_space<vmem>>
    %dma_start3A_49 = tpu.memref_squeeze %dma_start3A_48 : memref<1x1x64xi32, #tpu.memory_space<vmem>> -> memref<64xi32, #tpu.memory_space<vmem>>
    %dma_start3A_50 = arith.constant 0 : i32
    %dma_start3A_51 = arith.constant 0 : i32
    %dma_start3A_52 = tpu.memref_slice %arg2[%dma_start3A_50, %dma_start3A_51] : memref<10008x128xf32, #tpu.memory_space<hbm>> -> memref<10008x128xf32, #tpu.memory_space<hbm>>
    %dma_start3A_53 = tpu.memref_slice %arg10[%dma_start3A_42] : memref<6x!tpu.dma_semaphore, #tpu.memory_space<semaphore_mem>> -> memref<1x!tpu.dma_semaphore, #tpu.memory_space<semaphore_mem>>
    %dma_start3A_54 = tpu.memref_squeeze %dma_start3A_53 : memref<1x!tpu.dma_semaphore, #tpu.memory_space<semaphore_mem>> -> memref<!tpu.dma_semaphore, #tpu.memory_space<semaphore_mem>>
    tpu.enqueue_indirect_dma source(%dma_start3A_52 : memref<10008x128xf32, #tpu.memory_space<hbm>>) target(%dma_start3A_46 : memref<64x128xf32, #tpu.memory_space<vmem>>) offsets(%dma_start3A_49 : memref<64xi32, #tpu.memory_space<vmem>>) semaphore(%dma_start3A_54 : memref<!tpu.dma_semaphore, #tpu.memory_space<semaphore_mem>>)
    %dma_start3A_55 = arith.constant 3 : i32
    %dma_start3A_56 = arith.constant 1 : i32
    %dma_start3A_57 = arith.constant 3 : i32
    %dma_start3A_58 = arith.constant 3 : i32
    %dma_start3A_59 = arith.constant 0 : i32
    %dma_start3A_60 = arith.constant 0 : i32
    %dma_start3A_61 = tpu.memref_slice %arg8[%dma_start3A_57, %dma_start3A_59, %dma_start3A_60] : memref<6x64x128xf32, #tpu.memory_space<vmem>> -> memref<1x64x128xf32, #tpu.memory_space<vmem>>
    %dma_start3A_62 = tpu.memref_squeeze %dma_start3A_61 : memref<1x64x128xf32, #tpu.memory_space<vmem>> -> memref<64x128xf32, #tpu.memory_space<vmem>>
    %dma_start3A_63 = arith.constant 0 : i32
    %dma_start3A_64 = tpu.memref_slice %arg7[%dma_start3A_55, %dma_start3A_56, %dma_start3A_63] : memref<6x2x64xi32, #tpu.memory_space<vmem>> -> memref<1x1x64xi32, #tpu.memory_space<vmem>>
    %dma_start3A_65 = tpu.memref_squeeze %dma_start3A_64 : memref<1x1x64xi32, #tpu.memory_space<vmem>> -> memref<64xi32, #tpu.memory_space<vmem>>
    %dma_start3A_66 = arith.constant 0 : i32
    %dma_start3A_67 = arith.constant 0 : i32
    %dma_start3A_68 = tpu.memref_slice %arg2[%dma_start3A_66, %dma_start3A_67] : memref<10008x128xf32, #tpu.memory_space<hbm>> -> memref<10008x128xf32, #tpu.memory_space<hbm>>
    %dma_start3A_69 = tpu.memref_slice %arg10[%dma_start3A_58] : memref<6x!tpu.dma_semaphore, #tpu.memory_space<semaphore_mem>> -> memref<1x!tpu.dma_semaphore, #tpu.memory_space<semaphore_mem>>
    %dma_start3A_70 = tpu.memref_squeeze %dma_start3A_69 : memref<1x!tpu.dma_semaphore, #tpu.memory_space<semaphore_mem>> -> memref<!tpu.dma_semaphore, #tpu.memory_space<semaphore_mem>>
    tpu.enqueue_indirect_dma source(%dma_start3A_68 : memref<10008x128xf32, #tpu.memory_space<hbm>>) target(%dma_start3A_62 : memref<64x128xf32, #tpu.memory_space<vmem>>) offsets(%dma_start3A_65 : memref<64xi32, #tpu.memory_space<vmem>>) semaphore(%dma_start3A_70 : memref<!tpu.dma_semaphore, #tpu.memory_space<semaphore_mem>>)
    %dma_start3A_71 = arith.constant 4 : i32
    %dma_start3A_72 = arith.constant 1 : i32
    %dma_start3A_73 = arith.constant 4 : i32
    %dma_start3A_74 = arith.constant 4 : i32
    %dma_start3A_75 = arith.constant 0 : i32
    %dma_start3A_76 = arith.constant 0 : i32
    %dma_start3A_77 = tpu.memref_slice %arg8[%dma_start3A_73, %dma_start3A_75, %dma_start3A_76] : memref<6x64x128xf32, #tpu.memory_space<vmem>> -> memref<1x64x128xf32, #tpu.memory_space<vmem>>
    %dma_start3A_78 = tpu.memref_squeeze %dma_start3A_77 : memref<1x64x128xf32, #tpu.memory_space<vmem>> -> memref<64x128xf32, #tpu.memory_space<vmem>>
    %dma_start3A_79 = arith.constant 0 : i32
    %dma_start3A_80 = tpu.memref_slice %arg7[%dma_start3A_71, %dma_start3A_72, %dma_start3A_79] : memref<6x2x64xi32, #tpu.memory_space<vmem>> -> memref<1x1x64xi32, #tpu.memory_space<vmem>>
    %dma_start3A_81 = tpu.memref_squeeze %dma_start3A_80 : memref<1x1x64xi32, #tpu.memory_space<vmem>> -> memref<64xi32, #tpu.memory_space<vmem>>
    %dma_start3A_82 = arith.constant 0 : i32
    %dma_start3A_83 = arith.constant 0 : i32
    %dma_start3A_84 = tpu.memref_slice %arg2[%dma_start3A_82, %dma_start3A_83] : memref<10008x128xf32, #tpu.memory_space<hbm>> -> memref<10008x128xf32, #tpu.memory_space<hbm>>
    %dma_start3A_85 = tpu.memref_slice %arg10[%dma_start3A_74] : memref<6x!tpu.dma_semaphore, #tpu.memory_space<semaphore_mem>> -> memref<1x!tpu.dma_semaphore, #tpu.memory_space<semaphore_mem>>
    %dma_start3A_86 = tpu.memref_squeeze %dma_start3A_85 : memref<1x!tpu.dma_semaphore, #tpu.memory_space<semaphore_mem>> -> memref<!tpu.dma_semaphore, #tpu.memory_space<semaphore_mem>>
    tpu.enqueue_indirect_dma source(%dma_start3A_84 : memref<10008x128xf32, #tpu.memory_space<hbm>>) target(%dma_start3A_78 : memref<64x128xf32, #tpu.memory_space<vmem>>) offsets(%dma_start3A_81 : memref<64xi32, #tpu.memory_space<vmem>>) semaphore(%dma_start3A_86 : memref<!tpu.dma_semaphore, #tpu.memory_space<semaphore_mem>>)
    %scan3A = arith.constant 0 : i32
    %scan3A_87 = arith.constant 0 : i32
    %scan3A_88 = arith.constant 160 : i32
    %scan3A_89 = arith.addi %scan3A_87, %scan3A_88 : i32
    %scan3A_90 = arith.constant 1 : i32
    scf.for %scan3A_102 = %scan3A_87 to %scan3A_89 step %scan3A_90  : i32 {
      %rem3A = arith.constant 6 : i32
      %rem3A_103 = arith.remsi %scan3A_102, %rem3A : i32
      %add3A_104 = arith.constant 6 : i32
      %add3A_105 = arith.addi %scan3A_102, %add3A_104 : i32
      %sub3A = arith.constant 1 : i32
      %sub3A_106 = arith.subi %add3A_105, %sub3A : i32
      %rem3A_107 = arith.constant 6 : i32
      %rem3A_108 = arith.remsi %sub3A_106, %rem3A_107 : i32
      %dma_wait3A = arith.constant 1 : i32
      %dma_wait3A_109 = arith.constant 0 : i32
      %dma_wait3A_110 = arith.constant 0 : i32
      %dma_wait3A_111 = tpu.memref_slice %arg8[%rem3A_103, %dma_wait3A_109, %dma_wait3A_110] : memref<6x64x128xf32, #tpu.memory_space<vmem>> -> memref<1x64x128xf32, #tpu.memory_space<vmem>>
      %dma_wait3A_112 = tpu.memref_squeeze %dma_wait3A_111 : memref<1x64x128xf32, #tpu.memory_space<vmem>> -> memref<64x128xf32, #tpu.memory_space<vmem>>
      %dma_wait3A_113 = arith.constant 0 : i32
      %dma_wait3A_114 = tpu.memref_slice %arg7[%rem3A_103, %dma_wait3A, %dma_wait3A_113] : memref<6x2x64xi32, #tpu.memory_space<vmem>> -> memref<1x1x64xi32, #tpu.memory_space<vmem>>
      %dma_wait3A_115 = tpu.memref_squeeze %dma_wait3A_114 : memref<1x1x64xi32, #tpu.memory_space<vmem>> -> memref<64xi32, #tpu.memory_space<vmem>>
      %dma_wait3A_116 = arith.constant 0 : i32
      %dma_wait3A_117 = arith.constant 0 : i32
      %dma_wait3A_118 = tpu.memref_slice %arg2[%dma_wait3A_116, %dma_wait3A_117] : memref<10008x128xf32, #tpu.memory_space<hbm>> -> memref<10008x128xf32, #tpu.memory_space<hbm>>
      %dma_wait3A_119 = tpu.memref_slice %arg10[%rem3A_103] : memref<6x!tpu.dma_semaphore, #tpu.memory_space<semaphore_mem>> -> memref<1x!tpu.dma_semaphore, #tpu.memory_space<semaphore_mem>>
      %dma_wait3A_120 = tpu.memref_squeeze %dma_wait3A_119 : memref<1x!tpu.dma_semaphore, #tpu.memory_space<semaphore_mem>> -> memref<!tpu.dma_semaphore, #tpu.memory_space<semaphore_mem>>
      tpu.wait_indirect_dma semaphore(%dma_wait3A_120 : memref<!tpu.dma_semaphore, #tpu.memory_space<semaphore_mem>>) src(%dma_wait3A_118 : memref<10008x128xf32, #tpu.memory_space<hbm>>) dst(%dma_wait3A_112 : memref<64x128xf32, #tpu.memory_space<vmem>>)
      %add3A_121 = arith.constant 6 : i32
      %add3A_122 = arith.addi %scan3A_102, %add3A_121 : i32
      %lt3A = arith.constant 160 : i32
      %lt3A_123 = arith.cmpi slt, %add3A_122, %lt3A : i32
      %convert_element_type3A_124 = arith.extui %lt3A_123 : i1 to i32
      %cond3A_125 = arith.constant 0 : i32
      %cond3A_126 = arith.cmpi ne, %convert_element_type3A_124, %cond3A_125 : i32
      scf.if %cond3A_126 {
        %add3A_136 = arith.constant 6 : i32
        %add3A_137 = arith.addi %scan3A_102, %add3A_136 : i32
        %dma_start3A_138 = arith.constant 0 : i32
        %dma_start3A_139 = arith.constant 0 : i32
        %dma_start3A_140 = tpu.memref_slice %arg7[%rem3A_103, %dma_start3A_138, %dma_start3A_139] : memref<6x2x64xi32, #tpu.memory_space<vmem>> -> memref<1x2x64xi32, #tpu.memory_space<vmem>>
        %dma_start3A_141 = tpu.memref_squeeze %dma_start3A_140 : memref<1x2x64xi32, #tpu.memory_space<vmem>> -> memref<2x64xi32, #tpu.memory_space<vmem>>
        %dma_start3A_142 = arith.constant 0 : i32
        %dma_start3A_143 = arith.constant 0 : i32
        %dma_start3A_144 = tpu.memref_slice %arg4[%add3A, %add3A_137, %dma_start3A_142, %dma_start3A_143] : memref<32x160x2x64xi32, #tpu.memory_space<hbm>> -> memref<1x1x2x64xi32, #tpu.memory_space<hbm>>
        %dma_start3A_145 = tpu.memref_squeeze %dma_start3A_144 : memref<1x1x2x64xi32, #tpu.memory_space<hbm>> -> memref<2x64xi32, #tpu.memory_space<hbm>>
        %dma_start3A_146 = tpu.memref_slice %arg9[%rem3A_103] : memref<6x!tpu.dma_semaphore, #tpu.memory_space<semaphore_mem>> -> memref<1x!tpu.dma_semaphore, #tpu.memory_space<semaphore_mem>>
        %dma_start3A_147 = tpu.memref_squeeze %dma_start3A_146 : memref<1x!tpu.dma_semaphore, #tpu.memory_space<semaphore_mem>> -> memref<!tpu.dma_semaphore, #tpu.memory_space<semaphore_mem>>
        %dma_start3A_148 = arith.constant 0 : i32
        %dma_start3A_149 = arith.constant 0 : i32
        %dma_start3A_150 = tpu.memref_slice %arg7[%rem3A_103, %dma_start3A_148, %dma_start3A_149] : memref<6x2x64xi32, #tpu.memory_space<vmem>> -> memref<1x2x64xi32, #tpu.memory_space<vmem>>
        %dma_start3A_151 = tpu.memref_squeeze %dma_start3A_150 : memref<1x2x64xi32, #tpu.memory_space<vmem>> -> memref<2x64xi32, #tpu.memory_space<vmem>>
        %dma_start3A_152 = arith.constant 0 : i32
        %dma_start3A_153 = arith.constant 0 : i32
        %dma_start3A_154 = tpu.memref_slice %arg4[%add3A, %add3A_137, %dma_start3A_152, %dma_start3A_153] : memref<32x160x2x64xi32, #tpu.memory_space<hbm>> -> memref<1x1x2x64xi32, #tpu.memory_space<hbm>>
        %dma_start3A_155 = tpu.memref_squeeze %dma_start3A_154 : memref<1x1x2x64xi32, #tpu.memory_space<hbm>> -> memref<2x64xi32, #tpu.memory_space<hbm>>
        tpu.enqueue_dma source(%dma_start3A_155 : memref<2x64xi32, #tpu.memory_space<hbm>>) target(%dma_start3A_151 : memref<2x64xi32, #tpu.memory_space<vmem>>) target_semaphore(%dma_start3A_147 : memref<!tpu.dma_semaphore, #tpu.memory_space<semaphore_mem>>)
      } else {
      }
      %add3A_127 = arith.constant 6 : i32
      %add3A_128 = arith.addi %scan3A_102, %add3A_127 : i32
      %sub3A_129 = arith.constant 1 : i32
      %sub3A_130 = arith.subi %add3A_128, %sub3A_129 : i32
      %lt3A_131 = arith.constant 160 : i32
      %lt3A_132 = arith.cmpi slt, %sub3A_130, %lt3A_131 : i32
      %convert_element_type3A_133 = arith.extui %lt3A_132 : i1 to i32
      %cond3A_134 = arith.constant 0 : i32
      %cond3A_135 = arith.cmpi ne, %convert_element_type3A_133, %cond3A_134 : i32
      scf.if %cond3A_135 {
        %ge3A = arith.constant 1 : i32
        %ge3A_136 = arith.cmpi sge, %scan3A_102, %ge3A : i32
        %convert_element_type3A_137 = arith.extui %ge3A_136 : i1 to i32
        %cond3A_138 = arith.constant 0 : i32
        %cond3A_139 = arith.cmpi ne, %convert_element_type3A_137, %cond3A_138 : i32
        scf.if %cond3A_139 {
          %add3A_153 = arith.constant 6 : i32
          %add3A_154 = arith.addi %scan3A_102, %add3A_153 : i32
          %sub3A_155 = arith.constant 1 : i32
          %sub3A_156 = arith.subi %add3A_154, %sub3A_155 : i32
          %dma_wait3A_157 = arith.constant 0 : i32
          %dma_wait3A_158 = arith.constant 0 : i32
          %dma_wait3A_159 = tpu.memref_slice %arg7[%rem3A_108, %dma_wait3A_157, %dma_wait3A_158] : memref<6x2x64xi32, #tpu.memory_space<vmem>> -> memref<1x2x64xi32, #tpu.memory_space<vmem>>
          %dma_wait3A_160 = tpu.memref_squeeze %dma_wait3A_159 : memref<1x2x64xi32, #tpu.memory_space<vmem>> -> memref<2x64xi32, #tpu.memory_space<vmem>>
          %dma_wait3A_161 = arith.constant 0 : i32
          %dma_wait3A_162 = arith.constant 0 : i32
          %dma_wait3A_163 = tpu.memref_slice %arg4[%add3A, %sub3A_156, %dma_wait3A_161, %dma_wait3A_162] : memref<32x160x2x64xi32, #tpu.memory_space<hbm>> -> memref<1x1x2x64xi32, #tpu.memory_space<hbm>>
          %dma_wait3A_164 = tpu.memref_squeeze %dma_wait3A_163 : memref<1x1x2x64xi32, #tpu.memory_space<hbm>> -> memref<2x64xi32, #tpu.memory_space<hbm>>
          %dma_wait3A_165 = tpu.memref_slice %arg9[%rem3A_108] : memref<6x!tpu.dma_semaphore, #tpu.memory_space<semaphore_mem>> -> memref<1x!tpu.dma_semaphore, #tpu.memory_space<semaphore_mem>>
          %dma_wait3A_166 = tpu.memref_squeeze %dma_wait3A_165 : memref<1x!tpu.dma_semaphore, #tpu.memory_space<semaphore_mem>> -> memref<!tpu.dma_semaphore, #tpu.memory_space<semaphore_mem>>
          %dma_wait3A_167 = arith.constant 0 : i32
          %dma_wait3A_168 = arith.constant 0 : i32
          %dma_wait3A_169 = tpu.memref_slice %arg7[%rem3A_108, %dma_wait3A_167, %dma_wait3A_168] : memref<6x2x64xi32, #tpu.memory_space<vmem>> -> memref<1x2x64xi32, #tpu.memory_space<vmem>>
          %dma_wait3A_170 = tpu.memref_squeeze %dma_wait3A_169 : memref<1x2x64xi32, #tpu.memory_space<vmem>> -> memref<2x64xi32, #tpu.memory_space<vmem>>
          %dma_wait3A_171 = arith.constant 0 : i32
          %dma_wait3A_172 = arith.constant 0 : i32
          %dma_wait3A_173 = tpu.memref_slice %arg4[%add3A, %sub3A_156, %dma_wait3A_171, %dma_wait3A_172] : memref<32x160x2x64xi32, #tpu.memory_space<hbm>> -> memref<1x1x2x64xi32, #tpu.memory_space<hbm>>
          %dma_wait3A_174 = tpu.memref_squeeze %dma_wait3A_173 : memref<1x1x2x64xi32, #tpu.memory_space<hbm>> -> memref<2x64xi32, #tpu.memory_space<hbm>>
          tpu.wait_dma2 semaphore(%dma_wait3A_166 : memref<!tpu.dma_semaphore, #tpu.memory_space<semaphore_mem>>) src(%dma_wait3A_174 : memref<2x64xi32, #tpu.memory_space<hbm>>) dst(%dma_wait3A_170 : memref<2x64xi32, #tpu.memory_space<vmem>>)
        } else {
        }
        %dma_start3A_140 = arith.constant 1 : i32
        %dma_start3A_141 = arith.constant 0 : i32
        %dma_start3A_142 = arith.constant 0 : i32
        %dma_start3A_143 = tpu.memref_slice %arg8[%rem3A_108, %dma_start3A_141, %dma_start3A_142] : memref<6x64x128xf32, #tpu.memory_space<vmem>> -> memref<1x64x128xf32, #tpu.memory_space<vmem>>
        %dma_start3A_144 = tpu.memref_squeeze %dma_start3A_143 : memref<1x64x128xf32, #tpu.memory_space<vmem>> -> memref<64x128xf32, #tpu.memory_space<vmem>>
        %dma_start3A_145 = arith.constant 0 : i32
        %dma_start3A_146 = tpu.memref_slice %arg7[%rem3A_108, %dma_start3A_140, %dma_start3A_145] : memref<6x2x64xi32, #tpu.memory_space<vmem>> -> memref<1x1x64xi32, #tpu.memory_space<vmem>>
        %dma_start3A_147 = tpu.memref_squeeze %dma_start3A_146 : memref<1x1x64xi32, #tpu.memory_space<vmem>> -> memref<64xi32, #tpu.memory_space<vmem>>
        %dma_start3A_148 = arith.constant 0 : i32
        %dma_start3A_149 = arith.constant 0 : i32
        %dma_start3A_150 = tpu.memref_slice %arg2[%dma_start3A_148, %dma_start3A_149] : memref<10008x128xf32, #tpu.memory_space<hbm>> -> memref<10008x128xf32, #tpu.memory_space<hbm>>
        %dma_start3A_151 = tpu.memref_slice %arg10[%rem3A_108] : memref<6x!tpu.dma_semaphore, #tpu.memory_space<semaphore_mem>> -> memref<1x!tpu.dma_semaphore, #tpu.memory_space<semaphore_mem>>
        %dma_start3A_152 = tpu.memref_squeeze %dma_start3A_151 : memref<1x!tpu.dma_semaphore, #tpu.memory_space<semaphore_mem>> -> memref<!tpu.dma_semaphore, #tpu.memory_space<semaphore_mem>>
        tpu.enqueue_indirect_dma source(%dma_start3A_150 : memref<10008x128xf32, #tpu.memory_space<hbm>>) target(%dma_start3A_144 : memref<64x128xf32, #tpu.memory_space<vmem>>) offsets(%dma_start3A_147 : memref<64xi32, #tpu.memory_space<vmem>>) semaphore(%dma_start3A_152 : memref<!tpu.dma_semaphore, #tpu.memory_space<semaphore_mem>>)
      } else {
      }
    }
    %scan3A_91 = arith.constant 160 : i32
    %barrier3A_92 = arith.constant 0 : index
    tpu.barrier barrier_id(%barrier3A_92)
    %mul3A_93 = arith.constant 624 : i32
    %mul3A_94 = arith.muli %arg1, %mul3A_93 : i32
    %mul3A_95 = arith.constant 624 : i32
    %mul3A_96 = arith.muli %arg1, %mul3A_95 : i32
    "tpu.region"() ({
      %run_scoped3A = tpu.sem_alloc : memref<!tpu.dma_semaphore, #tpu.memory_space<semaphore_mem>>
      %dma_start3A_102 = arith.constant 0 : i32
      %dma_start3A_103 = tpu.memref_slice %arg6[%arg0, %mul3A_96, %dma_start3A_102] : memref<2x10000x128xf32, #tpu.memory_space<hbm>> -> memref<1x624x128xf32, #tpu.memory_space<hbm>>
      %dma_start3A_104 = tpu.memref_squeeze %dma_start3A_103 : memref<1x624x128xf32, #tpu.memory_space<hbm>> -> memref<624x128xf32, #tpu.memory_space<hbm>>
      %dma_start3A_105 = arith.constant 0 : i32
      %dma_start3A_106 = tpu.memref_slice %arg11[%mul3A_94, %dma_start3A_105] : memref<10000x128xf32, #tpu.memory_space<vmem_shared>> -> memref<624x128xf32, #tpu.memory_space<vmem_shared>>
      tpu.enqueue_dma source(%dma_start3A_106 : memref<624x128xf32, #tpu.memory_space<vmem_shared>>) target(%dma_start3A_104 : memref<624x128xf32, #tpu.memory_space<hbm>>) target_semaphore(%run_scoped3A : memref<!tpu.dma_semaphore, #tpu.memory_space<semaphore_mem>>)
      %dma_wait3A = arith.constant 0 : i32
      %dma_wait3A_107 = tpu.memref_slice %arg6[%arg0, %mul3A_96, %dma_wait3A] : memref<2x10000x128xf32, #tpu.memory_space<hbm>> -> memref<1x624x128xf32, #tpu.memory_space<hbm>>
      %dma_wait3A_108 = tpu.memref_squeeze %dma_wait3A_107 : memref<1x624x128xf32, #tpu.memory_space<hbm>> -> memref<624x128xf32, #tpu.memory_space<hbm>>
      %dma_wait3A_109 = arith.constant 0 : i32
      %dma_wait3A_110 = tpu.memref_slice %arg11[%mul3A_94, %dma_wait3A_109] : memref<10000x128xf32, #tpu.memory_space<vmem_shared>> -> memref<624x128xf32, #tpu.memory_space<vmem_shared>>
      tpu.wait_dma2 semaphore(%run_scoped3A : memref<!tpu.dma_semaphore, #tpu.memory_space<semaphore_mem>>) src(%dma_wait3A_110 : memref<624x128xf32, #tpu.memory_space<vmem_shared>>) dst(%dma_wait3A_108 : memref<624x128xf32, #tpu.memory_space<hbm>>)
      tpu.yield
    }) : () -> ()
    %eq3A_97 = arith.constant 15 : i32
    %eq3A_98 = arith.cmpi eq, %arg1, %eq3A_97 : i32
    %convert_element_type3A_99 = arith.extui %eq3A_98 : i1 to i32
    %cond3A_100 = arith.constant 0 : i32
    %cond3A_101 = arith.cmpi ne, %convert_element_type3A_99, %cond3A_100 : i32
    scf.if %cond3A_101 {
      "tpu.region"() ({
        %run_scoped3A = tpu.sem_alloc : memref<!tpu.dma_semaphore, #tpu.memory_space<semaphore_mem>>
        %dma_start3A_102 = arith.constant 9984 : i32
        %dma_start3A_103 = arith.constant 0 : i32
        %dma_start3A_104 = tpu.memref_slice %arg6[%arg0, %dma_start3A_102, %dma_start3A_103] : memref<2x10000x128xf32, #tpu.memory_space<hbm>> -> memref<1x16x128xf32, #tpu.memory_space<hbm>>
        %dma_start3A_105 = tpu.memref_squeeze %dma_start3A_104 : memref<1x16x128xf32, #tpu.memory_space<hbm>> -> memref<16x128xf32, #tpu.memory_space<hbm>>
        %dma_start3A_106 = arith.constant 9984 : i32
        %dma_start3A_107 = arith.constant 0 : i32
        %dma_start3A_108 = tpu.memref_slice %arg11[%dma_start3A_106, %dma_start3A_107] : memref<10000x128xf32, #tpu.memory_space<vmem_shared>> -> memref<16x128xf32, #tpu.memory_space<vmem_shared>>
        tpu.enqueue_dma source(%dma_start3A_108 : memref<16x128xf32, #tpu.memory_space<vmem_shared>>) target(%dma_start3A_105 : memref<16x128xf32, #tpu.memory_space<hbm>>) target_semaphore(%run_scoped3A : memref<!tpu.dma_semaphore, #tpu.memory_space<semaphore_mem>>)
        %dma_wait3A = arith.constant 9984 : i32
        %dma_wait3A_109 = arith.constant 0 : i32
        %dma_wait3A_110 = tpu.memref_slice %arg6[%arg0, %dma_wait3A, %dma_wait3A_109] : memref<2x10000x128xf32, #tpu.memory_space<hbm>> -> memref<1x16x128xf32, #tpu.memory_space<hbm>>
        %dma_wait3A_111 = tpu.memref_squeeze %dma_wait3A_110 : memref<1x16x128xf32, #tpu.memory_space<hbm>> -> memref<16x128xf32, #tpu.memory_space<hbm>>
        %dma_wait3A_112 = arith.constant 9984 : i32
        %dma_wait3A_113 = arith.constant 0 : i32
        %dma_wait3A_114 = tpu.memref_slice %arg11[%dma_wait3A_112, %dma_wait3A_113] : memref<10000x128xf32, #tpu.memory_space<vmem_shared>> -> memref<16x128xf32, #tpu.memory_space<vmem_shared>>
        tpu.wait_dma2 semaphore(%run_scoped3A : memref<!tpu.dma_semaphore, #tpu.memory_space<semaphore_mem>>) src(%dma_wait3A_114 : memref<16x128xf32, #tpu.memory_space<vmem_shared>>) dst(%dma_wait3A_111 : memref<16x128xf32, #tpu.memory_space<hbm>>)
        tpu.yield
      }) : () -> ()
    } else {
    }
    return
  }
}

#map = affine_map<(d0, d1) -> (0, 0)>
#map1 = affine_map<(d0, d1) -> (0, 0, 0, 0)>
#map2 = affine_map<(d0, d1) -> (0, 0, 0)>
module attributes {stable_mosaic.version = 14 : i64} {
  func.func @_agg_body(%arg0: i32, %arg1: i32, %arg2: memref<10008x128xf32, #tpu.memory_space<hbm>>, %arg3: memref<10000x128xf32, #tpu.memory_space<hbm>>, %arg4: memref<32x160x2x64xi32, #tpu.memory_space<hbm>>, %arg5: memref<10000x128xf32, #tpu.memory_space<hbm>>, %arg6: memref<2x10000x128xf32, #tpu.memory_space<hbm>>, %arg7: memref<6x2x64xi32, #tpu.memory_space<vmem>>, %arg8: memref<6x64x128xf32, #tpu.memory_space<vmem>>, %arg9: memref<6x!tpu.dma_semaphore, #tpu.memory_space<semaphore_mem>>, %arg10: memref<6x!tpu.dma_semaphore, #tpu.memory_space<semaphore_mem>>, %arg11: memref<10000x128xf32, #tpu.memory_space<vmem_shared>>) attributes {dimension_semantics = [#tpu.dimension_semantics<core_parallel>, #tpu.dimension_semantics<subcore_parallel>], iteration_bounds = array<i64: 2, 16>, scalar_prefetch = 0 : i64, scratch_operands = 5 : i64, tpu.core_type = #tpu.core_type<sc_vector_subcore>, window_params = [{transform_indices = #map}, {transform_indices = #map}, {transform_indices = #map1}, {transform_indices = #map}, {transform_indices = #map2}]} {
    %mul3A = arith.constant 16 : i32
    %mul3A_0 = arith.muli %arg0, %mul3A : i32
    %add3A = arith.addi %mul3A_0, %arg1 : i32
    %eq3A = arith.constant 0 : i32
    %eq3A_1 = arith.cmpi eq, %arg0, %eq3A : i32
    %convert_element_type3A = arith.extui %eq3A_1 : i1 to i32
    %cond3A = arith.constant 0 : i32
    %cond3A_2 = arith.cmpi ne, %convert_element_type3A, %cond3A : i32
    scf.if %cond3A_2 {
      %mul3A_102 = arith.constant 624 : i32
      %mul3A_103 = arith.muli %arg1, %mul3A_102 : i32
      %mul3A_104 = arith.constant 624 : i32
      %mul3A_105 = arith.muli %arg1, %mul3A_104 : i32
      "tpu.region"() ({
        %run_scoped3A = tpu.sem_alloc : memref<!tpu.dma_semaphore, #tpu.memory_space<semaphore_mem>>
        %dma_start3A_111 = arith.constant 0 : i32
        %dma_start3A_112 = tpu.memref_slice %arg11[%mul3A_105, %dma_start3A_111] : memref<10000x128xf32, #tpu.memory_space<vmem_shared>> -> memref<624x128xf32, #tpu.memory_space<vmem_shared>>
        %dma_start3A_113 = arith.constant 0 : i32
        %dma_start3A_114 = tpu.memref_slice %arg3[%mul3A_103, %dma_start3A_113] : memref<10000x128xf32, #tpu.memory_space<hbm>> -> memref<624x128xf32, #tpu.memory_space<hbm>>
        tpu.enqueue_dma source(%dma_start3A_114 : memref<624x128xf32, #tpu.memory_space<hbm>>) target(%dma_start3A_112 : memref<624x128xf32, #tpu.memory_space<vmem_shared>>) target_semaphore(%run_scoped3A : memref<!tpu.dma_semaphore, #tpu.memory_space<semaphore_mem>>)
        %dma_wait3A = arith.constant 0 : i32
        %dma_wait3A_115 = tpu.memref_slice %arg11[%mul3A_105, %dma_wait3A] : memref<10000x128xf32, #tpu.memory_space<vmem_shared>> -> memref<624x128xf32, #tpu.memory_space<vmem_shared>>
        %dma_wait3A_116 = arith.constant 0 : i32
        %dma_wait3A_117 = tpu.memref_slice %arg3[%mul3A_103, %dma_wait3A_116] : memref<10000x128xf32, #tpu.memory_space<hbm>> -> memref<624x128xf32, #tpu.memory_space<hbm>>
        tpu.wait_dma2 semaphore(%run_scoped3A : memref<!tpu.dma_semaphore, #tpu.memory_space<semaphore_mem>>) src(%dma_wait3A_117 : memref<624x128xf32, #tpu.memory_space<hbm>>) dst(%dma_wait3A_115 : memref<624x128xf32, #tpu.memory_space<vmem_shared>>)
        tpu.yield
      }) : () -> ()
      %eq3A_106 = arith.constant 15 : i32
      %eq3A_107 = arith.cmpi eq, %arg1, %eq3A_106 : i32
      %convert_element_type3A_108 = arith.extui %eq3A_107 : i1 to i32
      %cond3A_109 = arith.constant 0 : i32
      %cond3A_110 = arith.cmpi ne, %convert_element_type3A_108, %cond3A_109 : i32
      scf.if %cond3A_110 {
        "tpu.region"() ({
          %run_scoped3A = tpu.sem_alloc : memref<!tpu.dma_semaphore, #tpu.memory_space<semaphore_mem>>
          %dma_start3A_111 = arith.constant 9984 : i32
          %dma_start3A_112 = arith.constant 0 : i32
          %dma_start3A_113 = tpu.memref_slice %arg11[%dma_start3A_111, %dma_start3A_112] : memref<10000x128xf32, #tpu.memory_space<vmem_shared>> -> memref<16x128xf32, #tpu.memory_space<vmem_shared>>
          %dma_start3A_114 = arith.constant 9984 : i32
          %dma_start3A_115 = arith.constant 0 : i32
          %dma_start3A_116 = tpu.memref_slice %arg3[%dma_start3A_114, %dma_start3A_115] : memref<10000x128xf32, #tpu.memory_space<hbm>> -> memref<16x128xf32, #tpu.memory_space<hbm>>
          tpu.enqueue_dma source(%dma_start3A_116 : memref<16x128xf32, #tpu.memory_space<hbm>>) target(%dma_start3A_113 : memref<16x128xf32, #tpu.memory_space<vmem_shared>>) target_semaphore(%run_scoped3A : memref<!tpu.dma_semaphore, #tpu.memory_space<semaphore_mem>>)
          %dma_wait3A = arith.constant 9984 : i32
          %dma_wait3A_117 = arith.constant 0 : i32
          %dma_wait3A_118 = tpu.memref_slice %arg11[%dma_wait3A, %dma_wait3A_117] : memref<10000x128xf32, #tpu.memory_space<vmem_shared>> -> memref<16x128xf32, #tpu.memory_space<vmem_shared>>
          %dma_wait3A_119 = arith.constant 9984 : i32
          %dma_wait3A_120 = arith.constant 0 : i32
          %dma_wait3A_121 = tpu.memref_slice %arg3[%dma_wait3A_119, %dma_wait3A_120] : memref<10000x128xf32, #tpu.memory_space<hbm>> -> memref<16x128xf32, #tpu.memory_space<hbm>>
          tpu.wait_dma2 semaphore(%run_scoped3A : memref<!tpu.dma_semaphore, #tpu.memory_space<semaphore_mem>>) src(%dma_wait3A_121 : memref<16x128xf32, #tpu.memory_space<hbm>>) dst(%dma_wait3A_118 : memref<16x128xf32, #tpu.memory_space<vmem_shared>>)
          tpu.yield
        }) : () -> ()
      } else {
      }
    } else {
    }
    %eq3A_3 = arith.constant 1 : i32
    %eq3A_4 = arith.cmpi eq, %arg0, %eq3A_3 : i32
    %convert_element_type3A_5 = arith.extui %eq3A_4 : i1 to i32
    %cond3A_6 = arith.constant 0 : i32
    %cond3A_7 = arith.cmpi ne, %convert_element_type3A_5, %cond3A_6 : i32
    scf.if %cond3A_7 {
      %mul3A_102 = arith.constant 624 : i32
      %mul3A_103 = arith.muli %arg1, %mul3A_102 : i32
      %mul3A_104 = arith.constant 624 : i32
      %mul3A_105 = arith.muli %arg1, %mul3A_104 : i32
      "tpu.region"() ({
        %run_scoped3A = tpu.sem_alloc : memref<!tpu.dma_semaphore, #tpu.memory_space<semaphore_mem>>
        %dma_start3A_111 = arith.constant 0 : i32
        %dma_start3A_112 = tpu.memref_slice %arg11[%mul3A_105, %dma_start3A_111] : memref<10000x128xf32, #tpu.memory_space<vmem_shared>> -> memref<624x128xf32, #tpu.memory_space<vmem_shared>>
        %dma_start3A_113 = arith.constant 0 : i32
        %dma_start3A_114 = tpu.memref_slice %arg5[%mul3A_103, %dma_start3A_113] : memref<10000x128xf32, #tpu.memory_space<hbm>> -> memref<624x128xf32, #tpu.memory_space<hbm>>
        tpu.enqueue_dma source(%dma_start3A_114 : memref<624x128xf32, #tpu.memory_space<hbm>>) target(%dma_start3A_112 : memref<624x128xf32, #tpu.memory_space<vmem_shared>>) target_semaphore(%run_scoped3A : memref<!tpu.dma_semaphore, #tpu.memory_space<semaphore_mem>>)
        %dma_wait3A = arith.constant 0 : i32
        %dma_wait3A_115 = tpu.memref_slice %arg11[%mul3A_105, %dma_wait3A] : memref<10000x128xf32, #tpu.memory_space<vmem_shared>> -> memref<624x128xf32, #tpu.memory_space<vmem_shared>>
        %dma_wait3A_116 = arith.constant 0 : i32
        %dma_wait3A_117 = tpu.memref_slice %arg5[%mul3A_103, %dma_wait3A_116] : memref<10000x128xf32, #tpu.memory_space<hbm>> -> memref<624x128xf32, #tpu.memory_space<hbm>>
        tpu.wait_dma2 semaphore(%run_scoped3A : memref<!tpu.dma_semaphore, #tpu.memory_space<semaphore_mem>>) src(%dma_wait3A_117 : memref<624x128xf32, #tpu.memory_space<hbm>>) dst(%dma_wait3A_115 : memref<624x128xf32, #tpu.memory_space<vmem_shared>>)
        tpu.yield
      }) : () -> ()
      %eq3A_106 = arith.constant 15 : i32
      %eq3A_107 = arith.cmpi eq, %arg1, %eq3A_106 : i32
      %convert_element_type3A_108 = arith.extui %eq3A_107 : i1 to i32
      %cond3A_109 = arith.constant 0 : i32
      %cond3A_110 = arith.cmpi ne, %convert_element_type3A_108, %cond3A_109 : i32
      scf.if %cond3A_110 {
        "tpu.region"() ({
          %run_scoped3A = tpu.sem_alloc : memref<!tpu.dma_semaphore, #tpu.memory_space<semaphore_mem>>
          %dma_start3A_111 = arith.constant 9984 : i32
          %dma_start3A_112 = arith.constant 0 : i32
          %dma_start3A_113 = tpu.memref_slice %arg11[%dma_start3A_111, %dma_start3A_112] : memref<10000x128xf32, #tpu.memory_space<vmem_shared>> -> memref<16x128xf32, #tpu.memory_space<vmem_shared>>
          %dma_start3A_114 = arith.constant 9984 : i32
          %dma_start3A_115 = arith.constant 0 : i32
          %dma_start3A_116 = tpu.memref_slice %arg5[%dma_start3A_114, %dma_start3A_115] : memref<10000x128xf32, #tpu.memory_space<hbm>> -> memref<16x128xf32, #tpu.memory_space<hbm>>
          tpu.enqueue_dma source(%dma_start3A_116 : memref<16x128xf32, #tpu.memory_space<hbm>>) target(%dma_start3A_113 : memref<16x128xf32, #tpu.memory_space<vmem_shared>>) target_semaphore(%run_scoped3A : memref<!tpu.dma_semaphore, #tpu.memory_space<semaphore_mem>>)
          %dma_wait3A = arith.constant 9984 : i32
          %dma_wait3A_117 = arith.constant 0 : i32
          %dma_wait3A_118 = tpu.memref_slice %arg11[%dma_wait3A, %dma_wait3A_117] : memref<10000x128xf32, #tpu.memory_space<vmem_shared>> -> memref<16x128xf32, #tpu.memory_space<vmem_shared>>
          %dma_wait3A_119 = arith.constant 9984 : i32
          %dma_wait3A_120 = arith.constant 0 : i32
          %dma_wait3A_121 = tpu.memref_slice %arg5[%dma_wait3A_119, %dma_wait3A_120] : memref<10000x128xf32, #tpu.memory_space<hbm>> -> memref<16x128xf32, #tpu.memory_space<hbm>>
          tpu.wait_dma2 semaphore(%run_scoped3A : memref<!tpu.dma_semaphore, #tpu.memory_space<semaphore_mem>>) src(%dma_wait3A_121 : memref<16x128xf32, #tpu.memory_space<hbm>>) dst(%dma_wait3A_118 : memref<16x128xf32, #tpu.memory_space<vmem_shared>>)
          tpu.yield
        }) : () -> ()
      } else {
      }
    } else {
    }
    "tpu.region"() ({
      %run_scoped3A = tpu.sem_alloc : memref<!tpu.dma_semaphore, #tpu.memory_space<semaphore_mem>>
      %dma_start3A_102 = arith.constant 0 : i32
      %dma_start3A_103 = arith.constant 0 : i32
      %dma_start3A_104 = arith.constant 0 : i32
      %dma_start3A_105 = tpu.memref_slice %arg4[%add3A, %dma_start3A_102, %dma_start3A_103, %dma_start3A_104] : memref<32x160x2x64xi32, #tpu.memory_space<hbm>> -> memref<1x6x2x64xi32, #tpu.memory_space<hbm>>
      %dma_start3A_106 = tpu.memref_squeeze %dma_start3A_105 : memref<1x6x2x64xi32, #tpu.memory_space<hbm>> -> memref<6x2x64xi32, #tpu.memory_space<hbm>>
      %dma_start3A_107 = arith.constant 0 : i32
      %dma_start3A_108 = arith.constant 0 : i32
      %dma_start3A_109 = arith.constant 0 : i32
      %dma_start3A_110 = tpu.memref_slice %arg4[%add3A, %dma_start3A_107, %dma_start3A_108, %dma_start3A_109] : memref<32x160x2x64xi32, #tpu.memory_space<hbm>> -> memref<1x6x2x64xi32, #tpu.memory_space<hbm>>
      %dma_start3A_111 = tpu.memref_squeeze %dma_start3A_110 : memref<1x6x2x64xi32, #tpu.memory_space<hbm>> -> memref<6x2x64xi32, #tpu.memory_space<hbm>>
      tpu.enqueue_dma source(%dma_start3A_111 : memref<6x2x64xi32, #tpu.memory_space<hbm>>) target(%arg7 : memref<6x2x64xi32, #tpu.memory_space<vmem>>) target_semaphore(%run_scoped3A : memref<!tpu.dma_semaphore, #tpu.memory_space<semaphore_mem>>)
      %dma_wait3A = arith.constant 0 : i32
      %dma_wait3A_112 = arith.constant 0 : i32
      %dma_wait3A_113 = arith.constant 0 : i32
      %dma_wait3A_114 = tpu.memref_slice %arg4[%add3A, %dma_wait3A, %dma_wait3A_112, %dma_wait3A_113] : memref<32x160x2x64xi32, #tpu.memory_space<hbm>> -> memref<1x6x2x64xi32, #tpu.memory_space<hbm>>
      %dma_wait3A_115 = tpu.memref_squeeze %dma_wait3A_114 : memref<1x6x2x64xi32, #tpu.memory_space<hbm>> -> memref<6x2x64xi32, #tpu.memory_space<hbm>>
      %dma_wait3A_116 = arith.constant 0 : i32
      %dma_wait3A_117 = arith.constant 0 : i32
      %dma_wait3A_118 = arith.constant 0 : i32
      %dma_wait3A_119 = tpu.memref_slice %arg4[%add3A, %dma_wait3A_116, %dma_wait3A_117, %dma_wait3A_118] : memref<32x160x2x64xi32, #tpu.memory_space<hbm>> -> memref<1x6x2x64xi32, #tpu.memory_space<hbm>>
      %dma_wait3A_120 = tpu.memref_squeeze %dma_wait3A_119 : memref<1x6x2x64xi32, #tpu.memory_space<hbm>> -> memref<6x2x64xi32, #tpu.memory_space<hbm>>
      tpu.wait_dma2 semaphore(%run_scoped3A : memref<!tpu.dma_semaphore, #tpu.memory_space<semaphore_mem>>) src(%dma_wait3A_120 : memref<6x2x64xi32, #tpu.memory_space<hbm>>) dst(%arg7 : memref<6x2x64xi32, #tpu.memory_space<vmem>>)
      tpu.yield
    }) : () -> ()
    %barrier3A = arith.constant 0 : index
    tpu.barrier barrier_id(%barrier3A)
    %dma_start3A = arith.constant 0 : i32
    %dma_start3A_8 = arith.constant 1 : i32
    %dma_start3A_9 = arith.constant 0 : i32
    %dma_start3A_10 = arith.constant 0 : i32
    %dma_start3A_11 = arith.constant 0 : i32
    %dma_start3A_12 = arith.constant 0 : i32
    %dma_start3A_13 = tpu.memref_slice %arg8[%dma_start3A_9, %dma_start3A_11, %dma_start3A_12] : memref<6x64x128xf32, #tpu.memory_space<vmem>> -> memref<1x64x128xf32, #tpu.memory_space<vmem>>
    %dma_start3A_14 = tpu.memref_squeeze %dma_start3A_13 : memref<1x64x128xf32, #tpu.memory_space<vmem>> -> memref<64x128xf32, #tpu.memory_space<vmem>>
    %dma_start3A_15 = arith.constant 0 : i32
    %dma_start3A_16 = tpu.memref_slice %arg7[%dma_start3A, %dma_start3A_8, %dma_start3A_15] : memref<6x2x64xi32, #tpu.memory_space<vmem>> -> memref<1x1x64xi32, #tpu.memory_space<vmem>>
    %dma_start3A_17 = tpu.memref_squeeze %dma_start3A_16 : memref<1x1x64xi32, #tpu.memory_space<vmem>> -> memref<64xi32, #tpu.memory_space<vmem>>
    %dma_start3A_18 = arith.constant 0 : i32
    %dma_start3A_19 = arith.constant 0 : i32
    %dma_start3A_20 = tpu.memref_slice %arg2[%dma_start3A_18, %dma_start3A_19] : memref<10008x128xf32, #tpu.memory_space<hbm>> -> memref<10008x128xf32, #tpu.memory_space<hbm>>
    %dma_start3A_21 = tpu.memref_slice %arg10[%dma_start3A_10] : memref<6x!tpu.dma_semaphore, #tpu.memory_space<semaphore_mem>> -> memref<1x!tpu.dma_semaphore, #tpu.memory_space<semaphore_mem>>
    %dma_start3A_22 = tpu.memref_squeeze %dma_start3A_21 : memref<1x!tpu.dma_semaphore, #tpu.memory_space<semaphore_mem>> -> memref<!tpu.dma_semaphore, #tpu.memory_space<semaphore_mem>>
    tpu.enqueue_indirect_dma source(%dma_start3A_20 : memref<10008x128xf32, #tpu.memory_space<hbm>>) target(%dma_start3A_14 : memref<64x128xf32, #tpu.memory_space<vmem>>) offsets(%dma_start3A_17 : memref<64xi32, #tpu.memory_space<vmem>>) semaphore(%dma_start3A_22 : memref<!tpu.dma_semaphore, #tpu.memory_space<semaphore_mem>>)
    %dma_start3A_23 = arith.constant 1 : i32
    %dma_start3A_24 = arith.constant 1 : i32
    %dma_start3A_25 = arith.constant 1 : i32
    %dma_start3A_26 = arith.constant 1 : i32
    %dma_start3A_27 = arith.constant 0 : i32
    %dma_start3A_28 = arith.constant 0 : i32
    %dma_start3A_29 = tpu.memref_slice %arg8[%dma_start3A_25, %dma_start3A_27, %dma_start3A_28] : memref<6x64x128xf32, #tpu.memory_space<vmem>> -> memref<1x64x128xf32, #tpu.memory_space<vmem>>
    %dma_start3A_30 = tpu.memref_squeeze %dma_start3A_29 : memref<1x64x128xf32, #tpu.memory_space<vmem>> -> memref<64x128xf32, #tpu.memory_space<vmem>>
    %dma_start3A_31 = arith.constant 0 : i32
    %dma_start3A_32 = tpu.memref_slice %arg7[%dma_start3A_23, %dma_start3A_24, %dma_start3A_31] : memref<6x2x64xi32, #tpu.memory_space<vmem>> -> memref<1x1x64xi32, #tpu.memory_space<vmem>>
    %dma_start3A_33 = tpu.memref_squeeze %dma_start3A_32 : memref<1x1x64xi32, #tpu.memory_space<vmem>> -> memref<64xi32, #tpu.memory_space<vmem>>
    %dma_start3A_34 = arith.constant 0 : i32
    %dma_start3A_35 = arith.constant 0 : i32
    %dma_start3A_36 = tpu.memref_slice %arg2[%dma_start3A_34, %dma_start3A_35] : memref<10008x128xf32, #tpu.memory_space<hbm>> -> memref<10008x128xf32, #tpu.memory_space<hbm>>
    %dma_start3A_37 = tpu.memref_slice %arg10[%dma_start3A_26] : memref<6x!tpu.dma_semaphore, #tpu.memory_space<semaphore_mem>> -> memref<1x!tpu.dma_semaphore, #tpu.memory_space<semaphore_mem>>
    %dma_start3A_38 = tpu.memref_squeeze %dma_start3A_37 : memref<1x!tpu.dma_semaphore, #tpu.memory_space<semaphore_mem>> -> memref<!tpu.dma_semaphore, #tpu.memory_space<semaphore_mem>>
    tpu.enqueue_indirect_dma source(%dma_start3A_36 : memref<10008x128xf32, #tpu.memory_space<hbm>>) target(%dma_start3A_30 : memref<64x128xf32, #tpu.memory_space<vmem>>) offsets(%dma_start3A_33 : memref<64xi32, #tpu.memory_space<vmem>>) semaphore(%dma_start3A_38 : memref<!tpu.dma_semaphore, #tpu.memory_space<semaphore_mem>>)
    %dma_start3A_39 = arith.constant 2 : i32
    %dma_start3A_40 = arith.constant 1 : i32
    %dma_start3A_41 = arith.constant 2 : i32
    %dma_start3A_42 = arith.constant 2 : i32
    %dma_start3A_43 = arith.constant 0 : i32
    %dma_start3A_44 = arith.constant 0 : i32
    %dma_start3A_45 = tpu.memref_slice %arg8[%dma_start3A_41, %dma_start3A_43, %dma_start3A_44] : memref<6x64x128xf32, #tpu.memory_space<vmem>> -> memref<1x64x128xf32, #tpu.memory_space<vmem>>
    %dma_start3A_46 = tpu.memref_squeeze %dma_start3A_45 : memref<1x64x128xf32, #tpu.memory_space<vmem>> -> memref<64x128xf32, #tpu.memory_space<vmem>>
    %dma_start3A_47 = arith.constant 0 : i32
    %dma_start3A_48 = tpu.memref_slice %arg7[%dma_start3A_39, %dma_start3A_40, %dma_start3A_47] : memref<6x2x64xi32, #tpu.memory_space<vmem>> -> memref<1x1x64xi32, #tpu.memory_space<vmem>>
    %dma_start3A_49 = tpu.memref_squeeze %dma_start3A_48 : memref<1x1x64xi32, #tpu.memory_space<vmem>> -> memref<64xi32, #tpu.memory_space<vmem>>
    %dma_start3A_50 = arith.constant 0 : i32
    %dma_start3A_51 = arith.constant 0 : i32
    %dma_start3A_52 = tpu.memref_slice %arg2[%dma_start3A_50, %dma_start3A_51] : memref<10008x128xf32, #tpu.memory_space<hbm>> -> memref<10008x128xf32, #tpu.memory_space<hbm>>
    %dma_start3A_53 = tpu.memref_slice %arg10[%dma_start3A_42] : memref<6x!tpu.dma_semaphore, #tpu.memory_space<semaphore_mem>> -> memref<1x!tpu.dma_semaphore, #tpu.memory_space<semaphore_mem>>
    %dma_start3A_54 = tpu.memref_squeeze %dma_start3A_53 : memref<1x!tpu.dma_semaphore, #tpu.memory_space<semaphore_mem>> -> memref<!tpu.dma_semaphore, #tpu.memory_space<semaphore_mem>>
    tpu.enqueue_indirect_dma source(%dma_start3A_52 : memref<10008x128xf32, #tpu.memory_space<hbm>>) target(%dma_start3A_46 : memref<64x128xf32, #tpu.memory_space<vmem>>) offsets(%dma_start3A_49 : memref<64xi32, #tpu.memory_space<vmem>>) semaphore(%dma_start3A_54 : memref<!tpu.dma_semaphore, #tpu.memory_space<semaphore_mem>>)
    %dma_start3A_55 = arith.constant 3 : i32
    %dma_start3A_56 = arith.constant 1 : i32
    %dma_start3A_57 = arith.constant 3 : i32
    %dma_start3A_58 = arith.constant 3 : i32
    %dma_start3A_59 = arith.constant 0 : i32
    %dma_start3A_60 = arith.constant 0 : i32
    %dma_start3A_61 = tpu.memref_slice %arg8[%dma_start3A_57, %dma_start3A_59, %dma_start3A_60] : memref<6x64x128xf32, #tpu.memory_space<vmem>> -> memref<1x64x128xf32, #tpu.memory_space<vmem>>
    %dma_start3A_62 = tpu.memref_squeeze %dma_start3A_61 : memref<1x64x128xf32, #tpu.memory_space<vmem>> -> memref<64x128xf32, #tpu.memory_space<vmem>>
    %dma_start3A_63 = arith.constant 0 : i32
    %dma_start3A_64 = tpu.memref_slice %arg7[%dma_start3A_55, %dma_start3A_56, %dma_start3A_63] : memref<6x2x64xi32, #tpu.memory_space<vmem>> -> memref<1x1x64xi32, #tpu.memory_space<vmem>>
    %dma_start3A_65 = tpu.memref_squeeze %dma_start3A_64 : memref<1x1x64xi32, #tpu.memory_space<vmem>> -> memref<64xi32, #tpu.memory_space<vmem>>
    %dma_start3A_66 = arith.constant 0 : i32
    %dma_start3A_67 = arith.constant 0 : i32
    %dma_start3A_68 = tpu.memref_slice %arg2[%dma_start3A_66, %dma_start3A_67] : memref<10008x128xf32, #tpu.memory_space<hbm>> -> memref<10008x128xf32, #tpu.memory_space<hbm>>
    %dma_start3A_69 = tpu.memref_slice %arg10[%dma_start3A_58] : memref<6x!tpu.dma_semaphore, #tpu.memory_space<semaphore_mem>> -> memref<1x!tpu.dma_semaphore, #tpu.memory_space<semaphore_mem>>
    %dma_start3A_70 = tpu.memref_squeeze %dma_start3A_69 : memref<1x!tpu.dma_semaphore, #tpu.memory_space<semaphore_mem>> -> memref<!tpu.dma_semaphore, #tpu.memory_space<semaphore_mem>>
    tpu.enqueue_indirect_dma source(%dma_start3A_68 : memref<10008x128xf32, #tpu.memory_space<hbm>>) target(%dma_start3A_62 : memref<64x128xf32, #tpu.memory_space<vmem>>) offsets(%dma_start3A_65 : memref<64xi32, #tpu.memory_space<vmem>>) semaphore(%dma_start3A_70 : memref<!tpu.dma_semaphore, #tpu.memory_space<semaphore_mem>>)
    %dma_start3A_71 = arith.constant 4 : i32
    %dma_start3A_72 = arith.constant 1 : i32
    %dma_start3A_73 = arith.constant 4 : i32
    %dma_start3A_74 = arith.constant 4 : i32
    %dma_start3A_75 = arith.constant 0 : i32
    %dma_start3A_76 = arith.constant 0 : i32
    %dma_start3A_77 = tpu.memref_slice %arg8[%dma_start3A_73, %dma_start3A_75, %dma_start3A_76] : memref<6x64x128xf32, #tpu.memory_space<vmem>> -> memref<1x64x128xf32, #tpu.memory_space<vmem>>
    %dma_start3A_78 = tpu.memref_squeeze %dma_start3A_77 : memref<1x64x128xf32, #tpu.memory_space<vmem>> -> memref<64x128xf32, #tpu.memory_space<vmem>>
    %dma_start3A_79 = arith.constant 0 : i32
    %dma_start3A_80 = tpu.memref_slice %arg7[%dma_start3A_71, %dma_start3A_72, %dma_start3A_79] : memref<6x2x64xi32, #tpu.memory_space<vmem>> -> memref<1x1x64xi32, #tpu.memory_space<vmem>>
    %dma_start3A_81 = tpu.memref_squeeze %dma_start3A_80 : memref<1x1x64xi32, #tpu.memory_space<vmem>> -> memref<64xi32, #tpu.memory_space<vmem>>
    %dma_start3A_82 = arith.constant 0 : i32
    %dma_start3A_83 = arith.constant 0 : i32
    %dma_start3A_84 = tpu.memref_slice %arg2[%dma_start3A_82, %dma_start3A_83] : memref<10008x128xf32, #tpu.memory_space<hbm>> -> memref<10008x128xf32, #tpu.memory_space<hbm>>
    %dma_start3A_85 = tpu.memref_slice %arg10[%dma_start3A_74] : memref<6x!tpu.dma_semaphore, #tpu.memory_space<semaphore_mem>> -> memref<1x!tpu.dma_semaphore, #tpu.memory_space<semaphore_mem>>
    %dma_start3A_86 = tpu.memref_squeeze %dma_start3A_85 : memref<1x!tpu.dma_semaphore, #tpu.memory_space<semaphore_mem>> -> memref<!tpu.dma_semaphore, #tpu.memory_space<semaphore_mem>>
    tpu.enqueue_indirect_dma source(%dma_start3A_84 : memref<10008x128xf32, #tpu.memory_space<hbm>>) target(%dma_start3A_78 : memref<64x128xf32, #tpu.memory_space<vmem>>) offsets(%dma_start3A_81 : memref<64xi32, #tpu.memory_space<vmem>>) semaphore(%dma_start3A_86 : memref<!tpu.dma_semaphore, #tpu.memory_space<semaphore_mem>>)
    %scan3A = arith.constant 0 : i32
    %scan3A_87 = arith.constant 0 : i32
    %scan3A_88 = arith.constant 160 : i32
    %scan3A_89 = arith.addi %scan3A_87, %scan3A_88 : i32
    %scan3A_90 = arith.constant 1 : i32
    scf.for %scan3A_102 = %scan3A_87 to %scan3A_89 step %scan3A_90  : i32 {
      %rem3A = arith.constant 6 : i32
      %rem3A_103 = arith.remsi %scan3A_102, %rem3A : i32
      %add3A_104 = arith.constant 6 : i32
      %add3A_105 = arith.addi %scan3A_102, %add3A_104 : i32
      %sub3A = arith.constant 1 : i32
      %sub3A_106 = arith.subi %add3A_105, %sub3A : i32
      %rem3A_107 = arith.constant 6 : i32
      %rem3A_108 = arith.remsi %sub3A_106, %rem3A_107 : i32
      %dma_wait3A = arith.constant 1 : i32
      %dma_wait3A_109 = arith.constant 0 : i32
      %dma_wait3A_110 = arith.constant 0 : i32
      %dma_wait3A_111 = tpu.memref_slice %arg8[%rem3A_103, %dma_wait3A_109, %dma_wait3A_110] : memref<6x64x128xf32, #tpu.memory_space<vmem>> -> memref<1x64x128xf32, #tpu.memory_space<vmem>>
      %dma_wait3A_112 = tpu.memref_squeeze %dma_wait3A_111 : memref<1x64x128xf32, #tpu.memory_space<vmem>> -> memref<64x128xf32, #tpu.memory_space<vmem>>
      %dma_wait3A_113 = arith.constant 0 : i32
      %dma_wait3A_114 = tpu.memref_slice %arg7[%rem3A_103, %dma_wait3A, %dma_wait3A_113] : memref<6x2x64xi32, #tpu.memory_space<vmem>> -> memref<1x1x64xi32, #tpu.memory_space<vmem>>
      %dma_wait3A_115 = tpu.memref_squeeze %dma_wait3A_114 : memref<1x1x64xi32, #tpu.memory_space<vmem>> -> memref<64xi32, #tpu.memory_space<vmem>>
      %dma_wait3A_116 = arith.constant 0 : i32
      %dma_wait3A_117 = arith.constant 0 : i32
      %dma_wait3A_118 = tpu.memref_slice %arg2[%dma_wait3A_116, %dma_wait3A_117] : memref<10008x128xf32, #tpu.memory_space<hbm>> -> memref<10008x128xf32, #tpu.memory_space<hbm>>
      %dma_wait3A_119 = tpu.memref_slice %arg10[%rem3A_103] : memref<6x!tpu.dma_semaphore, #tpu.memory_space<semaphore_mem>> -> memref<1x!tpu.dma_semaphore, #tpu.memory_space<semaphore_mem>>
      %dma_wait3A_120 = tpu.memref_squeeze %dma_wait3A_119 : memref<1x!tpu.dma_semaphore, #tpu.memory_space<semaphore_mem>> -> memref<!tpu.dma_semaphore, #tpu.memory_space<semaphore_mem>>
      tpu.wait_indirect_dma semaphore(%dma_wait3A_120 : memref<!tpu.dma_semaphore, #tpu.memory_space<semaphore_mem>>) src(%dma_wait3A_118 : memref<10008x128xf32, #tpu.memory_space<hbm>>) dst(%dma_wait3A_112 : memref<64x128xf32, #tpu.memory_space<vmem>>)
      %add3A_121 = arith.constant 6 : i32
      %add3A_122 = arith.addi %scan3A_102, %add3A_121 : i32
      %lt3A = arith.constant 160 : i32
      %lt3A_123 = arith.cmpi slt, %add3A_122, %lt3A : i32
      %convert_element_type3A_124 = arith.extui %lt3A_123 : i1 to i32
      %cond3A_125 = arith.constant 0 : i32
      %cond3A_126 = arith.cmpi ne, %convert_element_type3A_124, %cond3A_125 : i32
      scf.if %cond3A_126 {
        %add3A_136 = arith.constant 6 : i32
        %add3A_137 = arith.addi %scan3A_102, %add3A_136 : i32
        %dma_start3A_138 = arith.constant 0 : i32
        %dma_start3A_139 = arith.constant 0 : i32
        %dma_start3A_140 = tpu.memref_slice %arg7[%rem3A_103, %dma_start3A_138, %dma_start3A_139] : memref<6x2x64xi32, #tpu.memory_space<vmem>> -> memref<1x2x64xi32, #tpu.memory_space<vmem>>
        %dma_start3A_141 = tpu.memref_squeeze %dma_start3A_140 : memref<1x2x64xi32, #tpu.memory_space<vmem>> -> memref<2x64xi32, #tpu.memory_space<vmem>>
        %dma_start3A_142 = arith.constant 0 : i32
        %dma_start3A_143 = arith.constant 0 : i32
        %dma_start3A_144 = tpu.memref_slice %arg4[%add3A, %add3A_137, %dma_start3A_142, %dma_start3A_143] : memref<32x160x2x64xi32, #tpu.memory_space<hbm>> -> memref<1x1x2x64xi32, #tpu.memory_space<hbm>>
        %dma_start3A_145 = tpu.memref_squeeze %dma_start3A_144 : memref<1x1x2x64xi32, #tpu.memory_space<hbm>> -> memref<2x64xi32, #tpu.memory_space<hbm>>
        %dma_start3A_146 = tpu.memref_slice %arg9[%rem3A_103] : memref<6x!tpu.dma_semaphore, #tpu.memory_space<semaphore_mem>> -> memref<1x!tpu.dma_semaphore, #tpu.memory_space<semaphore_mem>>
        %dma_start3A_147 = tpu.memref_squeeze %dma_start3A_146 : memref<1x!tpu.dma_semaphore, #tpu.memory_space<semaphore_mem>> -> memref<!tpu.dma_semaphore, #tpu.memory_space<semaphore_mem>>
        %dma_start3A_148 = arith.constant 0 : i32
        %dma_start3A_149 = arith.constant 0 : i32
        %dma_start3A_150 = tpu.memref_slice %arg7[%rem3A_103, %dma_start3A_148, %dma_start3A_149] : memref<6x2x64xi32, #tpu.memory_space<vmem>> -> memref<1x2x64xi32, #tpu.memory_space<vmem>>
        %dma_start3A_151 = tpu.memref_squeeze %dma_start3A_150 : memref<1x2x64xi32, #tpu.memory_space<vmem>> -> memref<2x64xi32, #tpu.memory_space<vmem>>
        %dma_start3A_152 = arith.constant 0 : i32
        %dma_start3A_153 = arith.constant 0 : i32
        %dma_start3A_154 = tpu.memref_slice %arg4[%add3A, %add3A_137, %dma_start3A_152, %dma_start3A_153] : memref<32x160x2x64xi32, #tpu.memory_space<hbm>> -> memref<1x1x2x64xi32, #tpu.memory_space<hbm>>
        %dma_start3A_155 = tpu.memref_squeeze %dma_start3A_154 : memref<1x1x2x64xi32, #tpu.memory_space<hbm>> -> memref<2x64xi32, #tpu.memory_space<hbm>>
        tpu.enqueue_dma source(%dma_start3A_155 : memref<2x64xi32, #tpu.memory_space<hbm>>) target(%dma_start3A_151 : memref<2x64xi32, #tpu.memory_space<vmem>>) target_semaphore(%dma_start3A_147 : memref<!tpu.dma_semaphore, #tpu.memory_space<semaphore_mem>>)
      } else {
      }
      %add3A_127 = arith.constant 6 : i32
      %add3A_128 = arith.addi %scan3A_102, %add3A_127 : i32
      %sub3A_129 = arith.constant 1 : i32
      %sub3A_130 = arith.subi %add3A_128, %sub3A_129 : i32
      %lt3A_131 = arith.constant 160 : i32
      %lt3A_132 = arith.cmpi slt, %sub3A_130, %lt3A_131 : i32
      %convert_element_type3A_133 = arith.extui %lt3A_132 : i1 to i32
      %cond3A_134 = arith.constant 0 : i32
      %cond3A_135 = arith.cmpi ne, %convert_element_type3A_133, %cond3A_134 : i32
      scf.if %cond3A_135 {
        %ge3A = arith.constant 1 : i32
        %ge3A_136 = arith.cmpi sge, %scan3A_102, %ge3A : i32
        %convert_element_type3A_137 = arith.extui %ge3A_136 : i1 to i32
        %cond3A_138 = arith.constant 0 : i32
        %cond3A_139 = arith.cmpi ne, %convert_element_type3A_137, %cond3A_138 : i32
        scf.if %cond3A_139 {
          %add3A_153 = arith.constant 6 : i32
          %add3A_154 = arith.addi %scan3A_102, %add3A_153 : i32
          %sub3A_155 = arith.constant 1 : i32
          %sub3A_156 = arith.subi %add3A_154, %sub3A_155 : i32
          %dma_wait3A_157 = arith.constant 0 : i32
          %dma_wait3A_158 = arith.constant 0 : i32
          %dma_wait3A_159 = tpu.memref_slice %arg7[%rem3A_108, %dma_wait3A_157, %dma_wait3A_158] : memref<6x2x64xi32, #tpu.memory_space<vmem>> -> memref<1x2x64xi32, #tpu.memory_space<vmem>>
          %dma_wait3A_160 = tpu.memref_squeeze %dma_wait3A_159 : memref<1x2x64xi32, #tpu.memory_space<vmem>> -> memref<2x64xi32, #tpu.memory_space<vmem>>
          %dma_wait3A_161 = arith.constant 0 : i32
          %dma_wait3A_162 = arith.constant 0 : i32
          %dma_wait3A_163 = tpu.memref_slice %arg4[%add3A, %sub3A_156, %dma_wait3A_161, %dma_wait3A_162] : memref<32x160x2x64xi32, #tpu.memory_space<hbm>> -> memref<1x1x2x64xi32, #tpu.memory_space<hbm>>
          %dma_wait3A_164 = tpu.memref_squeeze %dma_wait3A_163 : memref<1x1x2x64xi32, #tpu.memory_space<hbm>> -> memref<2x64xi32, #tpu.memory_space<hbm>>
          %dma_wait3A_165 = tpu.memref_slice %arg9[%rem3A_108] : memref<6x!tpu.dma_semaphore, #tpu.memory_space<semaphore_mem>> -> memref<1x!tpu.dma_semaphore, #tpu.memory_space<semaphore_mem>>
          %dma_wait3A_166 = tpu.memref_squeeze %dma_wait3A_165 : memref<1x!tpu.dma_semaphore, #tpu.memory_space<semaphore_mem>> -> memref<!tpu.dma_semaphore, #tpu.memory_space<semaphore_mem>>
          %dma_wait3A_167 = arith.constant 0 : i32
          %dma_wait3A_168 = arith.constant 0 : i32
          %dma_wait3A_169 = tpu.memref_slice %arg7[%rem3A_108, %dma_wait3A_167, %dma_wait3A_168] : memref<6x2x64xi32, #tpu.memory_space<vmem>> -> memref<1x2x64xi32, #tpu.memory_space<vmem>>
          %dma_wait3A_170 = tpu.memref_squeeze %dma_wait3A_169 : memref<1x2x64xi32, #tpu.memory_space<vmem>> -> memref<2x64xi32, #tpu.memory_space<vmem>>
          %dma_wait3A_171 = arith.constant 0 : i32
          %dma_wait3A_172 = arith.constant 0 : i32
          %dma_wait3A_173 = tpu.memref_slice %arg4[%add3A, %sub3A_156, %dma_wait3A_171, %dma_wait3A_172] : memref<32x160x2x64xi32, #tpu.memory_space<hbm>> -> memref<1x1x2x64xi32, #tpu.memory_space<hbm>>
          %dma_wait3A_174 = tpu.memref_squeeze %dma_wait3A_173 : memref<1x1x2x64xi32, #tpu.memory_space<hbm>> -> memref<2x64xi32, #tpu.memory_space<hbm>>
          tpu.wait_dma2 semaphore(%dma_wait3A_166 : memref<!tpu.dma_semaphore, #tpu.memory_space<semaphore_mem>>) src(%dma_wait3A_174 : memref<2x64xi32, #tpu.memory_space<hbm>>) dst(%dma_wait3A_170 : memref<2x64xi32, #tpu.memory_space<vmem>>)
        } else {
        }
        %dma_start3A_140 = arith.constant 1 : i32
        %dma_start3A_141 = arith.constant 0 : i32
        %dma_start3A_142 = arith.constant 0 : i32
        %dma_start3A_143 = tpu.memref_slice %arg8[%rem3A_108, %dma_start3A_141, %dma_start3A_142] : memref<6x64x128xf32, #tpu.memory_space<vmem>> -> memref<1x64x128xf32, #tpu.memory_space<vmem>>
        %dma_start3A_144 = tpu.memref_squeeze %dma_start3A_143 : memref<1x64x128xf32, #tpu.memory_space<vmem>> -> memref<64x128xf32, #tpu.memory_space<vmem>>
        %dma_start3A_145 = arith.constant 0 : i32
        %dma_start3A_146 = tpu.memref_slice %arg7[%rem3A_108, %dma_start3A_140, %dma_start3A_145] : memref<6x2x64xi32, #tpu.memory_space<vmem>> -> memref<1x1x64xi32, #tpu.memory_space<vmem>>
        %dma_start3A_147 = tpu.memref_squeeze %dma_start3A_146 : memref<1x1x64xi32, #tpu.memory_space<vmem>> -> memref<64xi32, #tpu.memory_space<vmem>>
        %dma_start3A_148 = arith.constant 0 : i32
        %dma_start3A_149 = arith.constant 0 : i32
        %dma_start3A_150 = tpu.memref_slice %arg2[%dma_start3A_148, %dma_start3A_149] : memref<10008x128xf32, #tpu.memory_space<hbm>> -> memref<10008x128xf32, #tpu.memory_space<hbm>>
        %dma_start3A_151 = tpu.memref_slice %arg10[%rem3A_108] : memref<6x!tpu.dma_semaphore, #tpu.memory_space<semaphore_mem>> -> memref<1x!tpu.dma_semaphore, #tpu.memory_space<semaphore_mem>>
        %dma_start3A_152 = tpu.memref_squeeze %dma_start3A_151 : memref<1x!tpu.dma_semaphore, #tpu.memory_space<semaphore_mem>> -> memref<!tpu.dma_semaphore, #tpu.memory_space<semaphore_mem>>
        tpu.enqueue_indirect_dma source(%dma_start3A_150 : memref<10008x128xf32, #tpu.memory_space<hbm>>) target(%dma_start3A_144 : memref<64x128xf32, #tpu.memory_space<vmem>>) offsets(%dma_start3A_147 : memref<64xi32, #tpu.memory_space<vmem>>) semaphore(%dma_start3A_152 : memref<!tpu.dma_semaphore, #tpu.memory_space<semaphore_mem>>)
      } else {
      }
    }
    %scan3A_91 = arith.constant 160 : i32
    %barrier3A_92 = arith.constant 0 : index
    tpu.barrier barrier_id(%barrier3A_92)
    %mul3A_93 = arith.constant 624 : i32
    %mul3A_94 = arith.muli %arg1, %mul3A_93 : i32
    %mul3A_95 = arith.constant 624 : i32
    %mul3A_96 = arith.muli %arg1, %mul3A_95 : i32
    "tpu.region"() ({
      %run_scoped3A = tpu.sem_alloc : memref<!tpu.dma_semaphore, #tpu.memory_space<semaphore_mem>>
      %dma_start3A_102 = arith.constant 0 : i32
      %dma_start3A_103 = tpu.memref_slice %arg6[%arg0, %mul3A_96, %dma_start3A_102] : memref<2x10000x128xf32, #tpu.memory_space<hbm>> -> memref<1x624x128xf32, #tpu.memory_space<hbm>>
      %dma_start3A_104 = tpu.memref_squeeze %dma_start3A_103 : memref<1x624x128xf32, #tpu.memory_space<hbm>> -> memref<624x128xf32, #tpu.memory_space<hbm>>
      %dma_start3A_105 = arith.constant 0 : i32
      %dma_start3A_106 = tpu.memref_slice %arg11[%mul3A_94, %dma_start3A_105] : memref<10000x128xf32, #tpu.memory_space<vmem_shared>> -> memref<624x128xf32, #tpu.memory_space<vmem_shared>>
      tpu.enqueue_dma source(%dma_start3A_106 : memref<624x128xf32, #tpu.memory_space<vmem_shared>>) target(%dma_start3A_104 : memref<624x128xf32, #tpu.memory_space<hbm>>) target_semaphore(%run_scoped3A : memref<!tpu.dma_semaphore, #tpu.memory_space<semaphore_mem>>)
      %dma_wait3A = arith.constant 0 : i32
      %dma_wait3A_107 = tpu.memref_slice %arg6[%arg0, %mul3A_96, %dma_wait3A] : memref<2x10000x128xf32, #tpu.memory_space<hbm>> -> memref<1x624x128xf32, #tpu.memory_space<hbm>>
      %dma_wait3A_108 = tpu.memref_squeeze %dma_wait3A_107 : memref<1x624x128xf32, #tpu.memory_space<hbm>> -> memref<624x128xf32, #tpu.memory_space<hbm>>
      %dma_wait3A_109 = arith.constant 0 : i32
      %dma_wait3A_110 = tpu.memref_slice %arg11[%mul3A_94, %dma_wait3A_109] : memref<10000x128xf32, #tpu.memory_space<vmem_shared>> -> memref<624x128xf32, #tpu.memory_space<vmem_shared>>
      tpu.wait_dma2 semaphore(%run_scoped3A : memref<!tpu.dma_semaphore, #tpu.memory_space<semaphore_mem>>) src(%dma_wait3A_110 : memref<624x128xf32, #tpu.memory_space<vmem_shared>>) dst(%dma_wait3A_108 : memref<624x128xf32, #tpu.memory_space<hbm>>)
      tpu.yield
    }) : () -> ()
    %eq3A_97 = arith.constant 15 : i32
    %eq3A_98 = arith.cmpi eq, %arg1, %eq3A_97 : i32
    %convert_element_type3A_99 = arith.extui %eq3A_98 : i1 to i32
    %cond3A_100 = arith.constant 0 : i32
    %cond3A_101 = arith.cmpi ne, %convert_element_type3A_99, %cond3A_100 : i32
    scf.if %cond3A_101 {
      "tpu.region"() ({
        %run_scoped3A = tpu.sem_alloc : memref<!tpu.dma_semaphore, #tpu.memory_space<semaphore_mem>>
        %dma_start3A_102 = arith.constant 9984 : i32
        %dma_start3A_103 = arith.constant 0 : i32
        %dma_start3A_104 = tpu.memref_slice %arg6[%arg0, %dma_start3A_102, %dma_start3A_103] : memref<2x10000x128xf32, #tpu.memory_space<hbm>> -> memref<1x16x128xf32, #tpu.memory_space<hbm>>
        %dma_start3A_105 = tpu.memref_squeeze %dma_start3A_104 : memref<1x16x128xf32, #tpu.memory_space<hbm>> -> memref<16x128xf32, #tpu.memory_space<hbm>>
        %dma_start3A_106 = arith.constant 9984 : i32
        %dma_start3A_107 = arith.constant 0 : i32
        %dma_start3A_108 = tpu.memref_slice %arg11[%dma_start3A_106, %dma_start3A_107] : memref<10000x128xf32, #tpu.memory_space<vmem_shared>> -> memref<16x128xf32, #tpu.memory_space<vmem_shared>>
        tpu.enqueue_dma source(%dma_start3A_108 : memref<16x128xf32, #tpu.memory_space<vmem_shared>>) target(%dma_start3A_105 : memref<16x128xf32, #tpu.memory_space<hbm>>) target_semaphore(%run_scoped3A : memref<!tpu.dma_semaphore, #tpu.memory_space<semaphore_mem>>)
        %dma_wait3A = arith.constant 9984 : i32
        %dma_wait3A_109 = arith.constant 0 : i32
        %dma_wait3A_110 = tpu.memref_slice %arg6[%arg0, %dma_wait3A, %dma_wait3A_109] : memref<2x10000x128xf32, #tpu.memory_space<hbm>> -> memref<1x16x128xf32, #tpu.memory_space<hbm>>
        %dma_wait3A_111 = tpu.memref_squeeze %dma_wait3A_110 : memref<1x16x128xf32, #tpu.memory_space<hbm>> -> memref<16x128xf32, #tpu.memory_space<hbm>>
        %dma_wait3A_112 = arith.constant 9984 : i32
        %dma_wait3A_113 = arith.constant 0 : i32
        %dma_wait3A_114 = tpu.memref_slice %arg11[%dma_wait3A_112, %dma_wait3A_113] : memref<10000x128xf32, #tpu.memory_space<vmem_shared>> -> memref<16x128xf32, #tpu.memory_space<vmem_shared>>
        tpu.wait_dma2 semaphore(%run_scoped3A : memref<!tpu.dma_semaphore, #tpu.memory_space<semaphore_mem>>) src(%dma_wait3A_114 : memref<16x128xf32, #tpu.memory_space<vmem_shared>>) dst(%dma_wait3A_111 : memref<16x128xf32, #tpu.memory_space<hbm>>)
        tpu.yield
      }) : () -> ()
    } else {
    }
    return
  }
}

module attributes {stable_mosaic.version = 14 : i64} {
  func.func @_mlp_body(%arg0: memref<2x10000x128xf32, #tpu.memory_space<vmem>>, %arg1: memref<128x128xf32, #tpu.memory_space<vmem>>, %arg2: memref<1x128xf32, #tpu.memory_space<vmem>>, %arg3: memref<128x128xf32, #tpu.memory_space<vmem>>, %arg4: memref<1x128xf32, #tpu.memory_space<vmem>>, %arg5: memref<1x128xf32, #tpu.memory_space<vmem>>, %arg6: memref<1x128xf32, #tpu.memory_space<vmem>>, %arg7: memref<10000x128xf32, #tpu.memory_space<vmem>>) attributes {dimension_semantics = [], scalar_prefetch = 0 : i64, scratch_operands = 0 : i64, tpu.core_type = #tpu.core_type<tc>} {
    %get3A = arith.constant 0 : index
    %get3A_0 = arith.constant 0 : index
    %get3A_1 = arith.constant 0 : index
    %get3A_2 = vector.load %arg0[%get3A, %get3A_0, %get3A_1] : memref<2x10000x128xf32, #tpu.memory_space<vmem>>, vector<1x10000x128xf32>
    %get3A_3 = vector.shape_cast %get3A_2 : vector<1x10000x128xf32> to vector<10000x128xf32>
    %get3A_4 = arith.constant 1 : index
    %get3A_5 = arith.constant 0 : index
    %get3A_6 = arith.constant 0 : index
    %get3A_7 = vector.load %arg0[%get3A_4, %get3A_5, %get3A_6] : memref<2x10000x128xf32, #tpu.memory_space<vmem>>, vector<1x10000x128xf32>
    %get3A_8 = vector.shape_cast %get3A_7 : vector<1x10000x128xf32> to vector<10000x128xf32>
    %add3A = arith.addf %get3A_3, %get3A_8 : vector<10000x128xf32>
    %get3A_9 = arith.constant 0 : index
    %get3A_10 = arith.constant 0 : index
    %get3A_11 = vector.load %arg1[%get3A_9, %get3A_10] : memref<128x128xf32, #tpu.memory_space<vmem>>, vector<128x128xf32>
    %dot_general3A = arith.constant dense<0.000000e+00> : vector<10000x128xf32>
    %dot_general3A_12 = tpu.matmul %add3A, %get3A_11, %dot_general3A {dimension_numbers = #tpu.dot_dimension_numbers<[1], [0], [0], [1], [0, 0, 1, 1], [], []>, transpose_lhs_hint = false} : vector<10000x128xf32>, vector<128x128xf32>, vector<10000x128xf32> -> vector<10000x128xf32>
    %get3A_13 = arith.constant 0 : index
    %get3A_14 = arith.constant 0 : index
    %get3A_15 = vector.load %arg2[%get3A_13, %get3A_14] : memref<1x128xf32, #tpu.memory_space<vmem>>, vector<1x128xf32>
    %add3A_16 = vector.broadcast %get3A_15 : vector<1x128xf32> to vector<10000x128xf32>
    %add3A_17 = arith.addf %dot_general3A_12, %add3A_16 : vector<10000x128xf32>
    %max3A = arith.constant 0.000000e+00 : f32
    %max3A_18 = vector.broadcast %max3A : f32 to vector<10000x128xf32>
    %max3A_19 = arith.maximumf %add3A_17, %max3A_18 : vector<10000x128xf32>
    %get3A_20 = arith.constant 0 : index
    %get3A_21 = arith.constant 0 : index
    %get3A_22 = vector.load %arg3[%get3A_20, %get3A_21] : memref<128x128xf32, #tpu.memory_space<vmem>>, vector<128x128xf32>
    %dot_general3A_23 = arith.constant dense<0.000000e+00> : vector<10000x128xf32>
    %dot_general3A_24 = tpu.matmul %max3A_19, %get3A_22, %dot_general3A_23 {dimension_numbers = #tpu.dot_dimension_numbers<[1], [0], [0], [1], [0, 0, 1, 1], [], []>, transpose_lhs_hint = false} : vector<10000x128xf32>, vector<128x128xf32>, vector<10000x128xf32> -> vector<10000x128xf32>
    %get3A_25 = arith.constant 0 : index
    %get3A_26 = arith.constant 0 : index
    %get3A_27 = vector.load %arg4[%get3A_25, %get3A_26] : memref<1x128xf32, #tpu.memory_space<vmem>>, vector<1x128xf32>
    %add3A_28 = vector.broadcast %get3A_27 : vector<1x128xf32> to vector<10000x128xf32>
    %add3A_29 = arith.addf %dot_general3A_24, %add3A_28 : vector<10000x128xf32>
    %reduce_sum3A = arith.constant dense<0.000000e+00> : vector<128xf32>
    %reduce_sum3A_30 = vector.multi_reduction <add>, %add3A_29, %reduce_sum3A [0] : vector<10000x128xf32> to vector<128xf32>
    %broadcast_in_dim3A = vector.shape_cast %reduce_sum3A_30 : vector<128xf32> to vector<1x128xf32>
    %div3A = arith.constant 1.000000e+04 : f32
    %div3A_31 = vector.broadcast %div3A : f32 to vector<1x128xf32>
    %div3A_32 = arith.divf %broadcast_in_dim3A, %div3A_31 : vector<1x128xf32>
    %sub3A = vector.broadcast %div3A_32 : vector<1x128xf32> to vector<10000x128xf32>
    %sub3A_33 = arith.subf %add3A_29, %sub3A : vector<10000x128xf32>
    %mul3A = arith.mulf %sub3A_33, %sub3A_33 : vector<10000x128xf32>
    %reduce_sum3A_34 = arith.constant dense<0.000000e+00> : vector<128xf32>
    %reduce_sum3A_35 = vector.multi_reduction <add>, %mul3A, %reduce_sum3A_34 [0] : vector<10000x128xf32> to vector<128xf32>
    %broadcast_in_dim3A_36 = vector.shape_cast %reduce_sum3A_35 : vector<128xf32> to vector<1x128xf32>
    %div3A_37 = arith.constant 1.000000e+04 : f32
    %div3A_38 = vector.broadcast %div3A_37 : f32 to vector<1x128xf32>
    %div3A_39 = arith.divf %broadcast_in_dim3A_36, %div3A_38 : vector<1x128xf32>
    %add3A_40 = arith.constant 9.99999974E-6 : f32
    %add3A_41 = vector.broadcast %add3A_40 : f32 to vector<1x128xf32>
    %add3A_42 = arith.addf %div3A_39, %add3A_41 : vector<1x128xf32>
    %rsqrt3A = math.rsqrt %add3A_42 : vector<1x128xf32>
    %mul3A_43 = vector.broadcast %rsqrt3A : vector<1x128xf32> to vector<10000x128xf32>
    %mul3A_44 = arith.mulf %sub3A_33, %mul3A_43 : vector<10000x128xf32>
    %get3A_45 = arith.constant 0 : index
    %get3A_46 = arith.constant 0 : index
    %get3A_47 = vector.load %arg5[%get3A_45, %get3A_46] : memref<1x128xf32, #tpu.memory_space<vmem>>, vector<1x128xf32>
    %mul3A_48 = vector.broadcast %get3A_47 : vector<1x128xf32> to vector<10000x128xf32>
    %mul3A_49 = arith.mulf %mul3A_44, %mul3A_48 : vector<10000x128xf32>
    %get3A_50 = arith.constant 0 : index
    %get3A_51 = arith.constant 0 : index
    %get3A_52 = vector.load %arg6[%get3A_50, %get3A_51] : memref<1x128xf32, #tpu.memory_space<vmem>>, vector<1x128xf32>
    %add3A_53 = vector.broadcast %get3A_52 : vector<1x128xf32> to vector<10000x128xf32>
    %add3A_54 = arith.addf %mul3A_49, %add3A_53 : vector<10000x128xf32>
    %swap3A = arith.constant 0 : index
    %swap3A_55 = arith.constant 0 : index
    %swap3A_56 = vector.load %arg7[%swap3A, %swap3A_55] : memref<10000x128xf32, #tpu.memory_space<vmem>>, vector<10000x128xf32>
    tpu.vector_store %arg7[%swap3A, %swap3A_55], %add3A_54 {strides = array<i32>} : memref<10000x128xf32, #tpu.memory_space<vmem>>, vector<10000x128xf32>,
    return
  }
}

module attributes {stable_mosaic.version = 14 : i64} {
  func.func @_mlp_body(%arg0: memref<2x10000x128xf32, #tpu.memory_space<vmem>>, %arg1: memref<128x128xf32, #tpu.memory_space<vmem>>, %arg2: memref<1x128xf32, #tpu.memory_space<vmem>>, %arg3: memref<128x128xf32, #tpu.memory_space<vmem>>, %arg4: memref<1x128xf32, #tpu.memory_space<vmem>>, %arg5: memref<1x128xf32, #tpu.memory_space<vmem>>, %arg6: memref<1x128xf32, #tpu.memory_space<vmem>>, %arg7: memref<10000x128xf32, #tpu.memory_space<vmem>>) attributes {dimension_semantics = [], scalar_prefetch = 0 : i64, scratch_operands = 0 : i64, tpu.core_type = #tpu.core_type<tc>} {
    %get3A = arith.constant 0 : index
    %get3A_0 = arith.constant 0 : index
    %get3A_1 = arith.constant 0 : index
    %get3A_2 = vector.load %arg0[%get3A, %get3A_0, %get3A_1] : memref<2x10000x128xf32, #tpu.memory_space<vmem>>, vector<1x10000x128xf32>
    %get3A_3 = vector.shape_cast %get3A_2 : vector<1x10000x128xf32> to vector<10000x128xf32>
    %get3A_4 = arith.constant 1 : index
    %get3A_5 = arith.constant 0 : index
    %get3A_6 = arith.constant 0 : index
    %get3A_7 = vector.load %arg0[%get3A_4, %get3A_5, %get3A_6] : memref<2x10000x128xf32, #tpu.memory_space<vmem>>, vector<1x10000x128xf32>
    %get3A_8 = vector.shape_cast %get3A_7 : vector<1x10000x128xf32> to vector<10000x128xf32>
    %add3A = arith.addf %get3A_3, %get3A_8 : vector<10000x128xf32>
    %get3A_9 = arith.constant 0 : index
    %get3A_10 = arith.constant 0 : index
    %get3A_11 = vector.load %arg1[%get3A_9, %get3A_10] : memref<128x128xf32, #tpu.memory_space<vmem>>, vector<128x128xf32>
    %dot_general3A = arith.constant dense<0.000000e+00> : vector<10000x128xf32>
    %dot_general3A_12 = tpu.matmul %add3A, %get3A_11, %dot_general3A {dimension_numbers = #tpu.dot_dimension_numbers<[1], [0], [0], [1], [0, 0, 1, 1], [], []>, transpose_lhs_hint = false} : vector<10000x128xf32>, vector<128x128xf32>, vector<10000x128xf32> -> vector<10000x128xf32>
    %get3A_13 = arith.constant 0 : index
    %get3A_14 = arith.constant 0 : index
    %get3A_15 = vector.load %arg2[%get3A_13, %get3A_14] : memref<1x128xf32, #tpu.memory_space<vmem>>, vector<1x128xf32>
    %add3A_16 = vector.broadcast %get3A_15 : vector<1x128xf32> to vector<10000x128xf32>
    %add3A_17 = arith.addf %dot_general3A_12, %add3A_16 : vector<10000x128xf32>
    %max3A = arith.constant 0.000000e+00 : f32
    %max3A_18 = vector.broadcast %max3A : f32 to vector<10000x128xf32>
    %max3A_19 = arith.maximumf %add3A_17, %max3A_18 : vector<10000x128xf32>
    %get3A_20 = arith.constant 0 : index
    %get3A_21 = arith.constant 0 : index
    %get3A_22 = vector.load %arg3[%get3A_20, %get3A_21] : memref<128x128xf32, #tpu.memory_space<vmem>>, vector<128x128xf32>
    %dot_general3A_23 = arith.constant dense<0.000000e+00> : vector<10000x128xf32>
    %dot_general3A_24 = tpu.matmul %max3A_19, %get3A_22, %dot_general3A_23 {dimension_numbers = #tpu.dot_dimension_numbers<[1], [0], [0], [1], [0, 0, 1, 1], [], []>, transpose_lhs_hint = false} : vector<10000x128xf32>, vector<128x128xf32>, vector<10000x128xf32> -> vector<10000x128xf32>
    %get3A_25 = arith.constant 0 : index
    %get3A_26 = arith.constant 0 : index
    %get3A_27 = vector.load %arg4[%get3A_25, %get3A_26] : memref<1x128xf32, #tpu.memory_space<vmem>>, vector<1x128xf32>
    %add3A_28 = vector.broadcast %get3A_27 : vector<1x128xf32> to vector<10000x128xf32>
    %add3A_29 = arith.addf %dot_general3A_24, %add3A_28 : vector<10000x128xf32>
    %reduce_sum3A = arith.constant dense<0.000000e+00> : vector<128xf32>
    %reduce_sum3A_30 = vector.multi_reduction <add>, %add3A_29, %reduce_sum3A [0] : vector<10000x128xf32> to vector<128xf32>
    %broadcast_in_dim3A = vector.shape_cast %reduce_sum3A_30 : vector<128xf32> to vector<1x128xf32>
    %div3A = arith.constant 1.000000e+04 : f32
    %div3A_31 = vector.broadcast %div3A : f32 to vector<1x128xf32>
    %div3A_32 = arith.divf %broadcast_in_dim3A, %div3A_31 : vector<1x128xf32>
    %sub3A = vector.broadcast %div3A_32 : vector<1x128xf32> to vector<10000x128xf32>
    %sub3A_33 = arith.subf %add3A_29, %sub3A : vector<10000x128xf32>
    %mul3A = arith.mulf %sub3A_33, %sub3A_33 : vector<10000x128xf32>
    %reduce_sum3A_34 = arith.constant dense<0.000000e+00> : vector<128xf32>
    %reduce_sum3A_35 = vector.multi_reduction <add>, %mul3A, %reduce_sum3A_34 [0] : vector<10000x128xf32> to vector<128xf32>
    %broadcast_in_dim3A_36 = vector.shape_cast %reduce_sum3A_35 : vector<128xf32> to vector<1x128xf32>
    %div3A_37 = arith.constant 1.000000e+04 : f32
    %div3A_38 = vector.broadcast %div3A_37 : f32 to vector<1x128xf32>
    %div3A_39 = arith.divf %broadcast_in_dim3A_36, %div3A_38 : vector<1x128xf32>
    %add3A_40 = arith.constant 9.99999974E-6 : f32
    %add3A_41 = vector.broadcast %add3A_40 : f32 to vector<1x128xf32>
    %add3A_42 = arith.addf %div3A_39, %add3A_41 : vector<1x128xf32>
    %rsqrt3A = math.rsqrt %add3A_42 : vector<1x128xf32>
    %mul3A_43 = vector.broadcast %rsqrt3A : vector<1x128xf32> to vector<10000x128xf32>
    %mul3A_44 = arith.mulf %sub3A_33, %mul3A_43 : vector<10000x128xf32>
    %get3A_45 = arith.constant 0 : index
    %get3A_46 = arith.constant 0 : index
    %get3A_47 = vector.load %arg5[%get3A_45, %get3A_46] : memref<1x128xf32, #tpu.memory_space<vmem>>, vector<1x128xf32>
    %mul3A_48 = vector.broadcast %get3A_47 : vector<1x128xf32> to vector<10000x128xf32>
    %mul3A_49 = arith.mulf %mul3A_44, %mul3A_48 : vector<10000x128xf32>
    %get3A_50 = arith.constant 0 : index
    %get3A_51 = arith.constant 0 : index
    %get3A_52 = vector.load %arg6[%get3A_50, %get3A_51] : memref<1x128xf32, #tpu.memory_space<vmem>>, vector<1x128xf32>
    %add3A_53 = vector.broadcast %get3A_52 : vector<1x128xf32> to vector<10000x128xf32>
    %add3A_54 = arith.addf %mul3A_49, %add3A_53 : vector<10000x128xf32>
    %swap3A = arith.constant 0 : index
    %swap3A_55 = arith.constant 0 : index
    %swap3A_56 = vector.load %arg7[%swap3A, %swap3A_55] : memref<10000x128xf32, #tpu.memory_space<vmem>>, vector<10000x128xf32>
    tpu.vector_store %arg7[%swap3A, %swap3A_55], %add3A_54 {strides = array<i32>} : memref<10000x128xf32, #tpu.memory_space<vmem>>, vector<10000x128xf32>,
    return
  }
}

</mosaic_0001>

<sc_bundles>
// kernel: kernel.11.cloned.1.call-start
scs
__scs_entry_jumppad:
0x0: {  	(pc) =	sbr.rel $0x88, $3  }
0x1: {  	(tag) =	ssettag $0x0;
	lr =	simm.s32 $0x1  }
0x2: {  	[smem:$0x3F8D] =	sst lr;
	_ =	strace $0xD0000000  }
0x3: {  	_ = 	snop  }
0x4: {  	_ = 	snop  }
0x5: {  	_ = 	snop  }
0x6: {  	_ = 	snop  }
0x7: {  	_ = 	snop  }
__scs_overlays_trampoline_lowered:
0x8: {  	[smem:$0x3F9C] =	sst s0  }
0x9: {  	[smem:$0x3F9D] =	sst s1  }
0xa: {  	[smem:$0x3F9E] =	sst s2  }
0xb: {  	[smem:$0x3F9F] =	sst s3  }
0xc: {  	[smem:$0x3FA0] =	sst s4  }
0xd: {  	[smem:$0x3FA1] =	sst s5  }
0xe: {  	[smem:$0x3FA2] =	sst s6  }
0xf: {  	[smem:$0x3FA3] =	sst s7  }
0x10: {  	[smem:$0x3FA4] =	sst s8  }
0x11: {  	[smem:$0x3FA5] =	sst s9;
	s0 =	simm.s32 @!p0 $0x0  }
0x12: {  	s1 =	sld [smem:$0x3F8B];
	s0 =	simm.s32 @p0 $0x1  }
0x13: {  	[smem:$0x3FA6] =	sst s0;
	s0 =	simm.s32 @!p1 $0x0  }
0x14: {  	s2 =	sld [smem:$0x3F8A];
	s0 =	simm.s32 @p1 $0x1  }
0x15: {  	[smem:$0x3FA7] =	sst s0;
	s0 =	simm.s32 @!p2 $0x0  }
0x16: {  	s3 =	sld [smem:$0x3FDB];
	s0 =	simm.s32 @p2 $0x1  }
0x17: {  	s4 =	simm.s32 $0x1BF5;
	[smem:$0x3FA9] =	sst s0  }
0x18: {  	s0 =	sld [smem:$0x3F8C];
	_ =	swait.ge [sflag:s4], $0x0  }
0x19: {  	s7 =	sld [smem:$0x3F8D]  }
0x1a: {  	s8 =	sadd.s32 $0xFFFFE003, lr  }
0x1b: {  	s9 =	sadd.s32 $0xFFFFFEF7, lr;
	s5 =	simm.s32 $0xFFFFFFFF;
	p2 =	slt.u32 s8, $0xFFFFF086  }
0x1c: {  	p1 =	slt.u32 s9, $0xF7A;
	s5 =	simm.s32 @!p2 $0x0  }
0x1d: {  	s5 =	simm.s32 @p1 $0x1;
	p0 =	seq.s32 s7, s2  }
0x1e: {  	s7 =	smul.u32 @!p0 $0xF7A, s2;
	p2 =	seq.s32 @!p0 s5, $0x0  }
0x1f: {  	s9 =	smul.u32 $0xF7A, s1;
	s8 =	simm.s32 @!p0 $0x1BF5;
	p2 =	por !p2, p0  }
0x20: {  	[sflag:s8] =	ssyncset.s32 @!p0 $0xFFFFF086;
	s6 =	sadd.s32 @!p0 s3, s7;
	s7 =	simm.s32 @!p0 $0x108  }
0x21: {  	s3 =	sadd.s32 s3, s9;
	s6 =	sadd.s32 @!p0 $0x88, s6;
	s7 =	simm.s32 @p2 $0x1082  }
0x22: {  	[simem:s7], [sflag:s8] =	dma.local @!p0 [hbm:s6], $0xF7A  }
0x23: {  	s9 =	sor.u32 $0xD0000000, s2;
	s6 =	simm.s32 $0x108;
	_ =	swait.ge @!p0 [sflag:s8], $0x0  }
0x24: {  	s3 =	sadd.s32 $0x88, s3;
	s6 =	simm.s32 @!p1 $0x1082;
	[sflag:s4] =	ssyncset.s32 $0xFFFFF086  }
0x25: {  	[simem:s6], [sflag:s4] =	dma.local [hbm:s3], $0xF7A  }
0x26: {  	[smem:$0x3F8D] =	sst s1;
	(tag) =	ssettag s2;
	_ =	strace s9  }
0x27: {  	s1 =	sld [smem:$0x3F9D]  }
0x28: {  	s2 =	sld [smem:$0x3F9E]  }
0x29: {  	s4 =	sld [smem:$0x3FA0]  }
0x2a: {  	p0 =	seq.s32 s5, $0x0;
	s5 =	sld [smem:$0x3FA1]  }
0x2b: {  	s6 =	sld [smem:$0x3FA2]  }
0x2c: {  	s7 =	sld [smem:$0x3FA3]  }
0x2d: {  	s3 =	simm.s32 $0x108;
	s8 =	sld [smem:$0x3FA4]  }
0x2e: {  	s3 =	simm.s32 @!p0 $0x1082;
	s9 =	sld [smem:$0x3FA5]  }
0x2f: {  	lr =	sadd.s32 s0, s3;
	s0 =	sld [smem:$0x3F9C]  }
0x30: {  	s3 =	sld [smem:$0x3F9F]  }
0x31: {  	[smem:$0x3FA8] =	sst s10  }
0x32: {  	s10 =	sld [smem:$0x3FA6];
	_ =	sdelay $0x3  }
0x33: {  	p0 =	seq.s32 s10, $0x1;
	s10 =	sld [smem:$0x3FA8];
	_ =	sdelay $0x3  }
0x34: {  	[smem:$0x3FA8] =	sst s10  }
0x35: {  	s10 =	sld [smem:$0x3FA7];
	_ =	sdelay $0x3  }
0x36: {  	p1 =	seq.s32 s10, $0x1;
	s10 =	sld [smem:$0x3FA8];
	_ =	sdelay $0x3  }
0x37: {  	[smem:$0x3FA8] =	sst s10  }
0x38: {  	s10 =	sld [smem:$0x3FA9]  }
0x39: {  	_ = 	snop;
	(pc) =	sbr.ind lr, $3  }
0x3a: {  	_ = 	snop  }
0x3b: {  	_ = 	snop  }
0x3c: {  	p2 =	seq.s32 s10, $0x1;
	s10 =	sld [smem:$0x3FA8]  }
0x3d: {  	_ =	shalt  }
0x3e: {  	_ =	shalt  }
0x3f: {  	_ =	shalt  }
0x40: {  	_ =	shalt  }
0x41: {  	_ =	shalt  }
0x42: {  	_ =	shalt  }
0x43: {  	_ =	shalt  }
0x44: {  	_ =	shalt  }
0x45: {  	_ =	shalt  }
0x46: {  	_ =	shalt  }
0x47: {  	_ =	shalt  }
0x48: {  	_ =	shalt  }
0x49: {  	_ =	shalt  }
0x4a: {  	_ =	shalt  }
0x4b: {  	_ =	shalt  }
0x4c: {  	_ =	shalt  }
0x4d: {  	_ =	shalt  }
0x4e: {  	_ =	shalt  }
0x4f: {  	_ =	shalt  }
0x50: {  	_ =	shalt  }
0x51: {  	_ =	shalt  }
0x52: {  	_ =	shalt  }
0x53: {  	_ =	shalt  }
0x54: {  	_ =	shalt  }
0x55: {  	_ =	shalt  }
0x56: {  	_ =	shalt  }
0x57: {  	_ =	shalt  }
0x58: {  	_ =	shalt  }
0x59: {  	_ =	shalt  }
0x5a: {  	_ =	shalt  }
0x5b: {  	_ =	shalt  }
0x5c: {  	_ =	shalt  }
0x5d: {  	_ =	shalt  }
0x5e: {  	_ =	shalt  }
0x5f: {  	_ =	shalt  }
0x60: {  	_ =	shalt  }
0x61: {  	_ =	shalt  }
0x62: {  	_ =	shalt  }
0x63: {  	_ =	shalt  }
0x64: {  	_ =	shalt  }
0x65: {  	_ =	shalt  }
0x66: {  	_ =	shalt  }
0x67: {  	_ =	shalt  }
0x68: {  	_ =	shalt  }
0x69: {  	_ =	shalt  }
0x6a: {  	_ =	shalt  }
0x6b: {  	_ =	shalt  }
0x6c: {  	_ =	shalt  }
0x6d: {  	_ =	shalt  }
0x6e: {  	_ =	shalt  }
0x6f: {  	_ =	shalt  }
0x70: {  	_ =	shalt  }
0x71: {  	_ =	shalt  }
0x72: {  	_ =	shalt  }
0x73: {  	_ =	shalt  }
0x74: {  	_ =	shalt  }
0x75: {  	_ =	shalt  }
0x76: {  	_ =	shalt  }
0x77: {  	_ =	shalt  }
0x78: {  	_ =	shalt  }
0x79: {  	_ =	shalt  }
0x7a: {  	_ =	shalt  }
0x7b: {  	_ =	shalt  }
0x7c: {  	_ =	shalt  }
0x7d: {  	_ =	shalt  }
0x7e: {  	_ =	shalt  }
0x7f: {  	_ =	shalt  }
0x80: {  	_ =	shalt  }
0x81: {  	_ =	shalt  }
0x82: {  	_ =	shalt  }
0x83: {  	_ =	shalt  }
0x84: {  	_ =	shalt  }
0x85: {  	_ =	shalt  }
0x86: {  	_ =	shalt  }
0x87: {  	_ =	shalt  }
.Lfunc_end0:
.L_simem_size_0:
called_computation.1_lowered:
.L_overlay_start_0:
0x88: {  	s2 =	sld [smem:$0x3FD9]  }
0x89: {  	s3 =	sld [smem:$0x3FFE];
	_ =	sdelay $0x1  }
0x8a: {  	s1 =	srdreg.scid  }
0x8b: {  	s0 =	sand.u32 $0x1, s1  }
0x8c: {  	s17 =	sshll.u32 s0, $0xA;
	s2 =	sadd.s32 s3, s2  }
0x8d: {  	s2 =	sadd.s32 s2, s17  }
0x8e: {  	[smem:$0x3FB4] =	sst s2  }
0x8f: {  	_ = 	snop  }
0x90: {  	s2 =	sld [smem:$0x3FD0];
	(tm) =	ssettm $0x1  }
0x91: {  	s18 =	sld [smem:$0x3FFB];
	_ =	sdelay $0x3  }
0x92: {  	_ =	strace s18  }
0x93: {  	s3 =	sld [smem:$0x3FFC];
	_ =	sdelay $0x3  }
0x94: {  	_ =	strace s3  }
0x95: {  	s3 =	sld [smem:$0x3FFD];
	_ =	sdelay $0x3  }
0x96: {  	_ =	strace s3  }
0x97: {  	_ =	strace $0x8FFFFFFF  }
0x98: {  	s19 =	sld [smem:$0x3FDB];
	_ =	sdelay $0x1  }
0x99: {  	s4 =	simm.s32 $_scs_section_size  }
0x9a: {  	s5 =	simm.s32 $_size__tile_overlayer_lowered;
	s6 =	simm.s32 $_tile_overlayer_lowered  }
0x9b: {  	s22 =	simm.s32 $0x1BFF;
	s21 =	sshll.u32 s6, $0x1;
	s3 =	sadd.s32 s4, s19  }
0x9c: {  	s7 =	simm.s32 $0x0;
	s20 =	sshll.u32 s5, $0x1;
	s5 =	sadd.s32 s21, s3  }
0x9d: {  	[timem:s7], [sflag:s22] =	dma.local [hbm:s5], s20  }
0x9e: {  	_ =	swait.ge [sflag:s22], s20  }
0x9f: {  	s4 =	ssub.s32 $0x0, s20;
	[sflag:s22] =	ssyncset.done $0x0  }
0xa0: {  	[sflag:s22] =	ssyncadd.s32 s4;
	_ =	sdelay $0x1  }
0xa1: {  	s23 =	simm.s32 $0x1B8B  }
0xa2: {  	_ =	swait.ge [sflag:s23], $0x1  }
0xa3: {  	[sflag:s23] =	ssyncset.done $0x0  }
0xa4: {  	s25 =	simm.s32 $0x1B8E;
	s24 =	sld [smem:$0x3FFE];
	[sflag:s23] =	ssyncadd.s32 $0xFFFFFFFF  }
0xa5: {  	s26 =	simm.s32 $execute0_lowered;
	[smem:$0x3FD2] =	sst s25  }
0xa6: {  	s5 =	sshll.u32 s26, $0x1;
	_ =	strace $0x80000049;
	[dreg:$0x1] =	wrdreg $0xFFFFFFFF  }
0xa7: {  	s28 =	simm.s32 $_size_execute0_lowered;
	s3 =	sadd.s32 s3, s5;
	[dreg:$0x0] =	wrdreg $0x0  }
0xa8: {  	s5 =	sshll.u32 s28, $0x1;
	[dreg:$0x2] =	wrdreg s3  }
0xa9: {  	[dreg:$0x3] =	wrdreg s5  }
0xaa: {  	[dreg:$0x4] =	wrdreg $0xC0  }
0xab: {  	_ =	task [dreg:s7], $0x5FFFF  }
0xac: {  	[dreg:$0x1] =	wrdreg $0xFFFFFFFF  }
0xad: {  	[dreg:$0x0] =	wrdreg $0x60  }
0xae: {  	[dreg:$0x2] =	wrdreg s24  }
0xaf: {  	[dreg:$0x3] =	wrdreg s2  }
0xb0: {  	[dreg:$0x4] =	wrdreg $0xC6000  }
0xb1: {  	[dreg:$0x5] =	wrdreg $0x9  }
0xb2: {  	_ =	task.clear_ibuf [dreg:s7], $0x6FFFF;
	_ =	strace $0x90000049  }
0xb3: {  	s29 =	simm.s32 $0x9;
	_ =	strace $0x8000004B  }
0xb4: {  	_ =	swait.ge [sflag:s29], $0x1  }
0xb5: {  	[sflag:s29] =	ssyncadd.s32 $0xFFFFFFFF  }
0xb6: {  	_ =	strace $0x9000004B  }
0xb7: {  	_ =	sfence  }
0xb8: {  	s30 =	sld [smem:$0x0];
	_ =	sdelay $0x2  }
0xb9: {  	s31 =	sshll.u32 s1, $0xD;
	s1 =	sshrl.u32 s1, $0x2  }
0xba: {  	s3 =	sand.u32 $0x4000, s31;
	s1 =	sadd.s32 s1, s30  }
0xbb: {  	s0 =	sor.u32 s3, s0;
	s1 =	sshll.u32 s1, $0x11  }
0xbc: {  	s0 =	sor.u32 s1, s0  }
0xbd: {  	s0 =	sadd.s32 $0x8F2B, s0  }
0xbe: {  	[sflag:s0] =	ssyncadd.remote.s32 $0x1  }
0xbf: {  	_ =	sfence.sel $0xFFFF  }
0xc0: {  	[dreg:$0x0] =	wrdreg $0xFFFFFFFF;
	(pc) =	sbr.abs _section_cstart, $3  }
0xc1: {  	[dreg:$0x1] =	wrdreg $0xFFFFFFFF  }
0xc2: {  	_ =	task.clear_ibuf [dreg:s7], $0x2FFFF;
	_ =	strace $0x9FFFFFFF  }
0xc3: {  	(tm) =	ssettm $0x7FFFFFFF  }
tec
execute0_lowered:
.L_overlay_start_1:
0x0: {  	(tag) =	ssettag $0x1  }
0x1: {  	s0 =	rddreg [dreg:$0x0]  }
0x2: {  	s15 =	rddreg [dreg:$0x1]  }
0x3: {  	s1 =	rddreg [dreg:$0x2];
	s3 =	simm.s32 $0x0  }
0x4: {  	s2 =	srdreg.scid;
	s26 =	stileid.u32;
	s17 =	simm.s32 $0xD  }
0x5: {  	s19 =	simm.s32 $0x40;
	s28 =	simm.s32 $0x6600;
	s29 =	simm.s32 $0x480  }
0x6: {  	s30 =	simm.s32 $0x8600;
	s31 =	simm.s32 $0x0;
	s6 =	smul.u32 $0x4E000, s26  }
0x7: {  	[smem:$0x7FF] =	sst s3;
	s2 =	sand.u32 $0x1, s2;
	s8 =	smul.u32 $0x2700, s26  }
0x8: {  	s4 =	sadd.s32 $0x52C00, s0;
	s14 =	sadd.s32 $0x2BA00, s0;
	s11 =	smul.u32 $0x13800, s26  }
0x9: {  	s13 =	sadd.s32 $0x3A00, s0;
	s0 =	sadd.s32 $0x79E00, s0;
	s21 =	smul.u32 $0xA000, s26  }
0xa: {  	p1 =	sne.s32 s26, $0xF;
	p2 =	seq.s32 s26, $0xF;
	_ =	strace $0x8000004A  }
0xb: {  	s5 =	sshll.u32 s2, $0x4;
	s7 =	ssub.s32 $0x2, s2;
	s10 =	smul.u32 $0x138800, s2  }
0xc: {  	p0 =	seq.s32 s2, $0x1;
	s2 =	smul.u32 $0xA0000, s2;
	[dreg:$0x4] =	wrdreg s14  }
0xd: {  	s5 =	sor.u32 s26, s5;
	s9 =	sshrl.u32 s7, $0x1;
	s6 =	sshrl.u32 s6, $0x2  }
0xe: {  	s20 =	sadd.s32 s14, s8;
	s22 =	sadd.s32 s15, s8;
	s14 =	sshll.u32 s26, $0x6  }
0xf: {  	s26 =	simm.s32 $0x380;
	s5 =	smul.u32 $0xA000, s5;
	s12 =	ssub.s32 s7, s9  }
0x10: {  	s16 =	sadd.s32 s6, s1;
	[dreg:$0x5] =	wrdreg s20;
	s7 =	sadd.s32 $0x138000, s1  }
0x11: {  	[dreg:$0x6] =	wrdreg s22;
	s23 =	sadd.s32 s11, s10;
	s24 =	sshrl.u32 s10, $0x3  }
0x12: {  	s2 =	sadd.s32 s21, s2;
	s15 =	sor.u32 $0x1C0D, s14;
	s20 =	simm.s32 $0x80  }
0x13: {  	s21 =	simm.s32 $0x600;
	s22 =	simm.s32 $0x180;
	s1 =	sshrl.u32 s23, $0x3  }
.Ltmp0:
0x14: {  	s2 =	sor.u32 $0x600, s2;
	s12 =	smax.u32 s12, $0x1;
	(pc) =	sbr.rel .LBB2_1-.Ltmp0, $4  }
0x15: {  	s16 =	sshrl.u32 s16, $0x3;
	s18 =	sshrl.u32 s7, $0x3;
	s23 =	simm.s32 $0x2600  }
0x16: {  	s5 =	sshrl.u32 s5, $0x3;
	s10 =	sadd.s32 s0, s1;
	s25 =	sshrl.u32 s2, $0x3  }
0x17: {  	s9 =	sadd.s32 s13, s5;
	s5 =	sadd.s32 s0, s24;
	s2 =	sadd.s32 s25, s13  }
0x18: {  	s24 =	simm.s32 $0x280;
	s25 =	simm.s32 $0x4600;
	s11 =	sadd.s32 $0x27000, s5  }
.LBB2_12:
0x19: {  	[bflag:$0x0] =	sbarrier.arrive $0xFFFF;
	s0 =	sor.u32 $0x1C0D, s14  }
0x1a: {  	[hbm:s10], [sflag:s0] =	dma.local [spmem:s16], $0x2700  }
0x1b: {  	_ =	swait.ge [sflag:s17], $0x2700  }
0x1c: {  	s31 =	sadd.s32 $0x1, s31;
	[sflag:s17] =	ssyncset.done $0x0  }
0x1d: {  	s1 =	sshrl.u32 @!p1 s7, $0x3;
	p3 =	sne.s32 s31, s12;
	[sflag:s17] =	ssyncadd.s32 $0xFFFFD900  }
0x1e: {  	[hbm:s11], [sflag:s0] =	dma.local @!p1 [spmem:s1], $0x100  }
.Ltmp1:
0x1f: {  	_ = 	snop;
	(pc) =	sbr.rel @!p3 .LBB2_13-.Ltmp1, $4  }
0x20: {  	s0 =	simm.s32 @!p1 $0xD  }
0x21: {  	_ =	swait.ge @!p1 [sflag:s0], $0x100  }
0x22: {  	[sflag:s0] =	ssyncset.done @!p1 $0x0  }
0x23: {  	[sflag:s0] =	ssyncadd.s32 @!p1 $0xFFFFFF00  }
.LBB2_1:
.Ltmp2:
0x24: {  	(pc) =	sbr.rel @!p0 .LBB2_2-.Ltmp2, $1  }
0x25: {  	_ =	sdelay $0x3  }
0x26: {  	s0 =	rddreg [dreg:$0x6]  }
0x27: {  	[spmem:s16], [sflag:s15] =	dma.local [hbm:s0], $0x2700  }
.Ltmp3:
0x28: {  	_ = 	snop;
	(pc) =	sbr.rel @p1 .LBB2_5-.Ltmp3, $4  }
.Ltmp4:
0x29: {  	_ =	swait.ge [sflag:s17], $0x2700;
	(pc) =	sbr.rel @!p1 .LBB2_4-.Ltmp4, $4  }
0x2a: {  	[sflag:s17] =	ssyncset.done $0x0  }
0x2b: {  	[sflag:s17] =	ssyncadd.s32 $0xFFFFD900  }
0x2c: {  	s0 =	smov.u32 s15;
	s1 =	rddreg [dreg:$0x1]  }
0x2d: {  	_ = 	snop  }
.LBB2_2:
.Ltmp5:
0x2e: {  	s0 =	sor.u32 $0x1C0D, s14;
	s1 =	rddreg [dreg:$0x5];
	(pc) =	sbr.rel @!p2 .LBB2_5-.Ltmp5, $4  }
0x2f: {  	[spmem:s16], [sflag:s0] =	dma.local [hbm:s1], $0x2700  }
0x30: {  	_ =	swait.ge [sflag:s17], $0x2700  }
0x31: {  	[sflag:s17] =	ssyncset.done $0x0  }
0x32: {  	s1 =	rddreg [dreg:$0x4];
	[sflag:s17] =	ssyncadd.s32 $0xFFFFD900  }
.LBB2_4:
0x33: {  	s1 =	sadd.s32 $0x27000, s1  }
0x34: {  	[spmem:s18], [sflag:s0] =	dma.local [hbm:s1], $0x100  }
0x35: {  	_ =	swait.ge [sflag:s17], $0x100  }
0x36: {  	[sflag:s17] =	ssyncset.done $0x0  }
0x37: {  	[sflag:s17] =	ssyncadd.s32 $0xFFFFFF00  }
.LBB2_5:
0x38: {  	s0 =	simm.s32 $0x0  }
0x39: {  	[tilespmem:s0], [sflag:$0xD] =	stream.linear.gather [hbm4b:s9+s0], $0x600, $0x38;
	[tilespmem:$0x1FE80] =	vst v63  }
0x3a: {  	_ =	swait.ge [sflag:s17], $0x600  }
0x3b: {  	[sflag:s17] =	ssyncset.done $0x0  }
0x3c: {  	[sflag:s17] =	ssyncadd.s32 $0xFFFFFA00  }
0x3d: {  	[bflag:$0x0] =	sbarrier.arrive $0xFFFF  }
0x3e: {  	[tilespmem:s21], [sflag:$0x7] =	stream.indirect.gather [hbm4b:s4+s19], $0x80, s20, s19, $0xb8;
	[tilespmem:$0x1FE80] =	vst v63  }
0x3f: {  	_ = 	snop  }
0x40: {  	[tilespmem:s23], [sflag:$0x8] =	stream.indirect.gather [hbm4b:s4+s19], $0x80, s22, s19, $0xb8;
	[tilespmem:$0x1FE80] =	vst v63  }
0x41: {  	_ = 	snop  }
0x42: {  	[tilespmem:s25], [sflag:$0x9] =	stream.indirect.gather [hbm4b:s4+s19], $0x80, s24, s19, $0xb8;
	[tilespmem:$0x1FE80] =	vst v63  }
.Ltmp6:
0x43: {  	_ = 	snop;
	(pc) =	sbr.rel .LBB2_6-.Ltmp6, $4  }
0x44: {  	_ = 	snop  }
0x45: {  	[tilespmem:s28], [sflag:$0xA] =	stream.indirect.gather [hbm4b:s4+s19], $0x80, s26, s19, $0xb8;
	[tilespmem:$0x1FE80] =	vst v63  }
0x46: {  	s13 =	smov.u32 s2  }
0x47: {  	[tilespmem:s30], [sflag:$0xB] =	stream.indirect.gather [hbm4b:s4+s19], $0x80, s29, s19, $0xb8;
	[tilespmem:$0x1FE80] =	vst v63  }
.LBB2_7:
0x48: {  	p3 =	seq.s32 s0, $0x0  }
.Ltmp7:
0x49: {  	_ = 	snop;
	(pc) =	sbr.rel @p3 .LBB2_10-.Ltmp7, $3  }
0x4a: {  	_ =	sdelay $0x1  }
0x4b: {  	s6 =	sshll.u32 s5, $0x8;
	s8 =	sadd.s32 $0x1, s5  }
0x4c: {  	[tilespmem:s6], [sflag:s8] =	stream.linear.gather [hbm4b:s13+s3], $0x100, $0x38;
	[tilespmem:$0x1FE80] =	vst v63  }
.LBB2_9:
0x4d: {  	s5 =	sadd.s32 $0x1, s1  }
0x4e: {  	_ =	swait.ge [sflag:s5], $0x100  }
0x4f: {  	[sflag:s5] =	ssyncset.done $0x0  }
0x50: {  	[sflag:s5] =	ssyncadd.s32 $0xFFFFFF00  }
.LBB2_10:
0x51: {  	s5 =	sshll.u32 s1, $0xD;
	s6 =	sshll.u32 s1, $0x8  }
0x52: {  	s8 =	sadd.s32 $0x7, s1;
	s5 =	sor.u32 $0x600, s5;
	s6 =	sor.u32 $0x80, s6  }
0x53: {  	[tilespmem:s5], [sflag:s8] =	stream.indirect.gather [hbm4b:s4+s19], $0x80, s6, s19, $0xb8;
	[tilespmem:$0x1FE80] =	vst v63  }
.LBB2_11:
0x54: {  	s0 =	sadd.s32 $0x1, s0  }
0x55: {  	p3 =	sne.s32 s0, $0xA0  }
.Ltmp8:
0x56: {  	_ = 	snop;
	(pc) =	sbr.rel @!p3 .LBB2_12-.Ltmp8, $2  }
0x57: {  	_ =	sdelay $0x2  }
0x58: {  	s13 =	sadd.s32 $0x20, s13  }
.LBB2_6:
0x59: {  	s1 =	smul.u32 $0xAB, s0;
	_ =	sdelay $0x1  }
0x5a: {  	s1 =	sshrl.u32 s1, $0xA  }
0x5b: {  	s6 =	sadd.s32 $0x5, s0;
	s1 =	sand.u32 $0x3F, s1  }
0x5c: {  	s5 =	sand.u32 $0xFF, s6;
	s1 =	smul.u32 $0x6, s1  }
0x5d: {  	s8 =	smul.u32 $0xAB, s5  }
0x5e: {  	p3 =	sgt.u32 s0, $0x99;
	s1 =	ssub.s32 s0, s1  }
.Ltmp9:
0x5f: {  	s8 =	sshrl.u32 s8, $0xA;
	s5 =	sand.u32 $0xFF, s1;
	(pc) =	sbr.rel @!p3 .LBB2_7-.Ltmp9, $4  }
0x60: {  	s1 =	smul.u32 $0x6, s8;
	s8 =	sadd.s32 $0x7, s5  }
0x61: {  	_ =	swait.ge [sflag:s8], $0x2000  }
0x62: {  	s1 =	ssub.s32 s6, s1;
	[sflag:s8] =	ssyncset.done $0x0  }
0x63: {  	s1 =	sand.u32 $0xFF, s1;
	[sflag:s8] =	ssyncadd.s32 $0xFFFFE000  }
0x64: {  	p3 =	sne.s32 s0, $0x9A  }
.Ltmp10:
0x65: {  	_ = 	snop;
	(pc) =	sbr.rel @p3 .LBB2_11-.Ltmp10, $4  }
.Ltmp11:
0x66: {  	_ = 	snop;
	(pc) =	sbr.rel @!p3 .LBB2_9-.Ltmp11, $4  }
0x67: {  	_ = 	snop  }
0x68: {  	_ = 	snop  }
0x69: {  	_ = 	snop  }
0x6a: {  	_ = 	snop  }
.LBB2_13:
0x6b: {  	_ =	sfence.sel $0x180000  }
0x6c: {  	[bflag:$0x0] =	sbarrier.arrive $0xFFFF  }
0x6d: {  	_ =	strace $0x9000004A  }
0x6e: {  	s0 =	stileid.u32;
	[bflag:$0x2] =	sbarrier.arrive $0xFFFF  }
0x6f: {  	p0 =	sne.s32 s0, $0x0;
	s0 =	rddreg [dreg:$0x3]  }
0x70: {  	s0 =	sadd.s32 @!p0 $0x100000, s0  }
0x71: {  	[sflag:s0] =	ssyncadd.tile.s32 @!p0 $0x1;
	_ =	shalt  }
.Lfunc_end2:
_tile_overlayer_lowered:
.L_overlay_start_2:
0x72: {  	(tag) =	ssettag $0x2  }
0x73: {  	s0 =	rddreg [dreg:$0x0];
	s2 =	stileid.u32  }
0x74: {  	s1 =	rddreg [dreg:$0x1];
	p0 =	sne.s32 s2, $0x0  }
0x75: {  	s3 =	rddreg [dreg:$0x2];
	[bflag:$0x3] =	sbarrier.arrive $0xFFFF;
	s2 =	simm.s32 @!p0 $0x1C0D  }
0x76: {  	[timem:s3], [sflag:s2] =	dma.local @!p0 [hbm:s0], s1  }
0x77: {  	s0 =	simm.s32 @!p0 $0xD  }
0x78: {  	_ =	swait.ge @!p0 [sflag:s0], s1  }
0x79: {  	s1 =	ssub.s32 @!p0 $0x0, s1;
	[sflag:s0] =	ssyncset.done @!p0 $0x0  }
0x7a: {  	[sflag:s0] =	ssyncadd.s32 @!p0 s1  }
0x7b: {  	[bflag:$0x3] =	sbarrier.arrive $0xFFFF  }
0x7c: {  	_ =	shalt  }

// kernel: kernel.14.cloned.1.call-start
scs
__scs_entry_jumppad:
0x0: {  	(pc) =	sbr.rel $0x88, $3  }
0x1: {  	(tag) =	ssettag $0x0;
	lr =	simm.s32 $0x1  }
0x2: {  	[smem:$0x3F8D] =	sst lr;
	_ =	strace $0xD0000000  }
0x3: {  	_ = 	snop  }
0x4: {  	_ = 	snop  }
0x5: {  	_ = 	snop  }
0x6: {  	_ = 	snop  }
0x7: {  	_ = 	snop  }
__scs_overlays_trampoline_lowered:
0x8: {  	[smem:$0x3F9C] =	sst s0  }
0x9: {  	[smem:$0x3F9D] =	sst s1  }
0xa: {  	[smem:$0x3F9E] =	sst s2  }
0xb: {  	[smem:$0x3F9F] =	sst s3  }
0xc: {  	[smem:$0x3FA0] =	sst s4  }
0xd: {  	[smem:$0x3FA1] =	sst s5  }
0xe: {  	[smem:$0x3FA2] =	sst s6  }
0xf: {  	[smem:$0x3FA3] =	sst s7  }
0x10: {  	[smem:$0x3FA4] =	sst s8  }
0x11: {  	[smem:$0x3FA5] =	sst s9;
	s0 =	simm.s32 @!p0 $0x0  }
0x12: {  	s1 =	sld [smem:$0x3F8B];
	s0 =	simm.s32 @p0 $0x1  }
0x13: {  	[smem:$0x3FA6] =	sst s0;
	s0 =	simm.s32 @!p1 $0x0  }
0x14: {  	s2 =	sld [smem:$0x3F8A];
	s0 =	simm.s32 @p1 $0x1  }
0x15: {  	[smem:$0x3FA7] =	sst s0;
	s0 =	simm.s32 @!p2 $0x0  }
0x16: {  	s3 =	sld [smem:$0x3FDB];
	s0 =	simm.s32 @p2 $0x1  }
0x17: {  	s4 =	simm.s32 $0x1BF5;
	[smem:$0x3FA9] =	sst s0  }
0x18: {  	s0 =	sld [smem:$0x3F8C];
	_ =	swait.ge [sflag:s4], $0x0  }
0x19: {  	s7 =	sld [smem:$0x3F8D]  }
0x1a: {  	s8 =	sadd.s32 $0xFFFFE003, lr  }
0x1b: {  	s9 =	sadd.s32 $0xFFFFFEF7, lr;
	s5 =	simm.s32 $0xFFFFFFFF;
	p2 =	slt.u32 s8, $0xFFFFF086  }
0x1c: {  	p1 =	slt.u32 s9, $0xF7A;
	s5 =	simm.s32 @!p2 $0x0  }
0x1d: {  	s5 =	simm.s32 @p1 $0x1;
	p0 =	seq.s32 s7, s2  }
0x1e: {  	s7 =	smul.u32 @!p0 $0xF7A, s2;
	p2 =	seq.s32 @!p0 s5, $0x0  }
0x1f: {  	s9 =	smul.u32 $0xF7A, s1;
	s8 =	simm.s32 @!p0 $0x1BF5;
	p2 =	por !p2, p0  }
0x20: {  	[sflag:s8] =	ssyncset.s32 @!p0 $0xFFFFF086;
	s6 =	sadd.s32 @!p0 s3, s7;
	s7 =	simm.s32 @!p0 $0x108  }
0x21: {  	s3 =	sadd.s32 s3, s9;
	s6 =	sadd.s32 @!p0 $0x88, s6;
	s7 =	simm.s32 @p2 $0x1082  }
0x22: {  	[simem:s7], [sflag:s8] =	dma.local @!p0 [hbm:s6], $0xF7A  }
0x23: {  	s9 =	sor.u32 $0xD0000000, s2;
	s6 =	simm.s32 $0x108;
	_ =	swait.ge @!p0 [sflag:s8], $0x0  }
0x24: {  	s3 =	sadd.s32 $0x88, s3;
	s6 =	simm.s32 @!p1 $0x1082;
	[sflag:s4] =	ssyncset.s32 $0xFFFFF086  }
0x25: {  	[simem:s6], [sflag:s4] =	dma.local [hbm:s3], $0xF7A  }
0x26: {  	[smem:$0x3F8D] =	sst s1;
	(tag) =	ssettag s2;
	_ =	strace s9  }
0x27: {  	s1 =	sld [smem:$0x3F9D]  }
0x28: {  	s2 =	sld [smem:$0x3F9E]  }
0x29: {  	s4 =	sld [smem:$0x3FA0]  }
0x2a: {  	p0 =	seq.s32 s5, $0x0;
	s5 =	sld [smem:$0x3FA1]  }
0x2b: {  	s6 =	sld [smem:$0x3FA2]  }
0x2c: {  	s7 =	sld [smem:$0x3FA3]  }
0x2d: {  	s3 =	simm.s32 $0x108;
	s8 =	sld [smem:$0x3FA4]  }
0x2e: {  	s3 =	simm.s32 @!p0 $0x1082;
	s9 =	sld [smem:$0x3FA5]  }
0x2f: {  	lr =	sadd.s32 s0, s3;
	s0 =	sld [smem:$0x3F9C]  }
0x30: {  	s3 =	sld [smem:$0x3F9F]  }
0x31: {  	[smem:$0x3FA8] =	sst s10  }
0x32: {  	s10 =	sld [smem:$0x3FA6];
	_ =	sdelay $0x3  }
0x33: {  	p0 =	seq.s32 s10, $0x1;
	s10 =	sld [smem:$0x3FA8];
	_ =	sdelay $0x3  }
0x34: {  	[smem:$0x3FA8] =	sst s10  }
0x35: {  	s10 =	sld [smem:$0x3FA7];
	_ =	sdelay $0x3  }
0x36: {  	p1 =	seq.s32 s10, $0x1;
	s10 =	sld [smem:$0x3FA8];
	_ =	sdelay $0x3  }
0x37: {  	[smem:$0x3FA8] =	sst s10  }
0x38: {  	s10 =	sld [smem:$0x3FA9]  }
0x39: {  	_ = 	snop;
	(pc) =	sbr.ind lr, $3  }
0x3a: {  	_ = 	snop  }
0x3b: {  	_ = 	snop  }
0x3c: {  	p2 =	seq.s32 s10, $0x1;
	s10 =	sld [smem:$0x3FA8]  }
0x3d: {  	_ =	shalt  }
0x3e: {  	_ =	shalt  }
0x3f: {  	_ =	shalt  }
0x40: {  	_ =	shalt  }
0x41: {  	_ =	shalt  }
0x42: {  	_ =	shalt  }
0x43: {  	_ =	shalt  }
0x44: {  	_ =	shalt  }
0x45: {  	_ =	shalt  }
0x46: {  	_ =	shalt  }
0x47: {  	_ =	shalt  }
0x48: {  	_ =	shalt  }
0x49: {  	_ =	shalt  }
0x4a: {  	_ =	shalt  }
0x4b: {  	_ =	shalt  }
0x4c: {  	_ =	shalt  }
0x4d: {  	_ =	shalt  }
0x4e: {  	_ =	shalt  }
0x4f: {  	_ =	shalt  }
0x50: {  	_ =	shalt  }
0x51: {  	_ =	shalt  }
0x52: {  	_ =	shalt  }
0x53: {  	_ =	shalt  }
0x54: {  	_ =	shalt  }
0x55: {  	_ =	shalt  }
0x56: {  	_ =	shalt  }
0x57: {  	_ =	shalt  }
0x58: {  	_ =	shalt  }
0x59: {  	_ =	shalt  }
0x5a: {  	_ =	shalt  }
0x5b: {  	_ =	shalt  }
0x5c: {  	_ =	shalt  }
0x5d: {  	_ =	shalt  }
0x5e: {  	_ =	shalt  }
0x5f: {  	_ =	shalt  }
0x60: {  	_ =	shalt  }
0x61: {  	_ =	shalt  }
0x62: {  	_ =	shalt  }
0x63: {  	_ =	shalt  }
0x64: {  	_ =	shalt  }
0x65: {  	_ =	shalt  }
0x66: {  	_ =	shalt  }
0x67: {  	_ =	shalt  }
0x68: {  	_ =	shalt  }
0x69: {  	_ =	shalt  }
0x6a: {  	_ =	shalt  }
0x6b: {  	_ =	shalt  }
0x6c: {  	_ =	shalt  }
0x6d: {  	_ =	shalt  }
0x6e: {  	_ =	shalt  }
0x6f: {  	_ =	shalt  }
0x70: {  	_ =	shalt  }
0x71: {  	_ =	shalt  }
0x72: {  	_ =	shalt  }
0x73: {  	_ =	shalt  }
0x74: {  	_ =	shalt  }
0x75: {  	_ =	shalt  }
0x76: {  	_ =	shalt  }
0x77: {  	_ =	shalt  }
0x78: {  	_ =	shalt  }
0x79: {  	_ =	shalt  }
0x7a: {  	_ =	shalt  }
0x7b: {  	_ =	shalt  }
0x7c: {  	_ =	shalt  }
0x7d: {  	_ =	shalt  }
0x7e: {  	_ =	shalt  }
0x7f: {  	_ =	shalt  }
0x80: {  	_ =	shalt  }
0x81: {  	_ =	shalt  }
0x82: {  	_ =	shalt  }
0x83: {  	_ =	shalt  }
0x84: {  	_ =	shalt  }
0x85: {  	_ =	shalt  }
0x86: {  	_ =	shalt  }
0x87: {  	_ =	shalt  }
.Lfunc_end0:
.L_simem_size_0:
called_computation.2_lowered:
.L_overlay_start_0:
0x88: {  	s2 =	sld [smem:$0x3FD9]  }
0x89: {  	s3 =	sld [smem:$0x3FFE];
	_ =	sdelay $0x1  }
0x8a: {  	s1 =	srdreg.scid  }
0x8b: {  	s0 =	sand.u32 $0x1, s1  }
0x8c: {  	s17 =	sshll.u32 s0, $0xA;
	s2 =	sadd.s32 s3, s2  }
0x8d: {  	s2 =	sadd.s32 s2, s17  }
0x8e: {  	[smem:$0x3FB4] =	sst s2  }
0x8f: {  	_ = 	snop  }
0x90: {  	s2 =	sld [smem:$0x3FD0];
	(tm) =	ssettm $0x1  }
0x91: {  	s18 =	sld [smem:$0x3FFB];
	_ =	sdelay $0x3  }
0x92: {  	_ =	strace s18  }
0x93: {  	s3 =	sld [smem:$0x3FFC];
	_ =	sdelay $0x3  }
0x94: {  	_ =	strace s3  }
0x95: {  	s3 =	sld [smem:$0x3FFD];
	_ =	sdelay $0x3  }
0x96: {  	_ =	strace s3  }
0x97: {  	_ =	strace $0x8FFFFFFF  }
0x98: {  	s19 =	sld [smem:$0x3FDB];
	_ =	sdelay $0x1  }
0x99: {  	s4 =	simm.s32 $_scs_section_size  }
0x9a: {  	s5 =	simm.s32 $_size__tile_overlayer_lowered;
	s6 =	simm.s32 $_tile_overlayer_lowered  }
0x9b: {  	s22 =	simm.s32 $0x1BFF;
	s21 =	sshll.u32 s6, $0x1;
	s3 =	sadd.s32 s4, s19  }
0x9c: {  	s7 =	simm.s32 $0x0;
	s20 =	sshll.u32 s5, $0x1;
	s5 =	sadd.s32 s21, s3  }
0x9d: {  	[timem:s7], [sflag:s22] =	dma.local [hbm:s5], s20  }
0x9e: {  	_ =	swait.ge [sflag:s22], s20  }
0x9f: {  	s4 =	ssub.s32 $0x0, s20;
	[sflag:s22] =	ssyncset.done $0x0  }
0xa0: {  	[sflag:s22] =	ssyncadd.s32 s4;
	_ =	sdelay $0x1  }
0xa1: {  	s23 =	simm.s32 $0x1B8B  }
0xa2: {  	_ =	swait.ge [sflag:s23], $0x1  }
0xa3: {  	[sflag:s23] =	ssyncset.done $0x0  }
0xa4: {  	s25 =	simm.s32 $0x1B8E;
	s24 =	sld [smem:$0x3FFE];
	[sflag:s23] =	ssyncadd.s32 $0xFFFFFFFF  }
0xa5: {  	s26 =	simm.s32 $execute0_lowered;
	[smem:$0x3FD2] =	sst s25  }
0xa6: {  	s5 =	sshll.u32 s26, $0x1;
	_ =	strace $0x8000004C;
	[dreg:$0x1] =	wrdreg $0xFFFFFFFF  }
0xa7: {  	s28 =	simm.s32 $_size_execute0_lowered;
	s3 =	sadd.s32 s3, s5;
	[dreg:$0x0] =	wrdreg $0x0  }
0xa8: {  	s5 =	sshll.u32 s28, $0x1;
	[dreg:$0x2] =	wrdreg s3  }
0xa9: {  	[dreg:$0x3] =	wrdreg s5  }
0xaa: {  	[dreg:$0x4] =	wrdreg $0xC0  }
0xab: {  	_ =	task [dreg:s7], $0x5FFFF  }
0xac: {  	[dreg:$0x1] =	wrdreg $0xFFFFFFFF  }
0xad: {  	[dreg:$0x0] =	wrdreg $0x60  }
0xae: {  	[dreg:$0x2] =	wrdreg s24  }
0xaf: {  	[dreg:$0x3] =	wrdreg s2  }
0xb0: {  	[dreg:$0x4] =	wrdreg $0xC6000  }
0xb1: {  	[dreg:$0x5] =	wrdreg $0x9  }
0xb2: {  	_ =	task.clear_ibuf [dreg:s7], $0x6FFFF;
	_ =	strace $0x9000004C  }
0xb3: {  	s29 =	simm.s32 $0x9;
	_ =	strace $0x8000004E  }
0xb4: {  	_ =	swait.ge [sflag:s29], $0x1  }
0xb5: {  	[sflag:s29] =	ssyncadd.s32 $0xFFFFFFFF  }
0xb6: {  	_ =	strace $0x9000004E  }
0xb7: {  	_ =	sfence  }
0xb8: {  	s30 =	sld [smem:$0x0];
	_ =	sdelay $0x2  }
0xb9: {  	s31 =	sshll.u32 s1, $0xD;
	s1 =	sshrl.u32 s1, $0x2  }
0xba: {  	s3 =	sand.u32 $0x4000, s31;
	s1 =	sadd.s32 s1, s30  }
0xbb: {  	s0 =	sor.u32 s3, s0;
	s1 =	sshll.u32 s1, $0x11  }
0xbc: {  	s0 =	sor.u32 s1, s0  }
0xbd: {  	s0 =	sadd.s32 $0x8F2B, s0  }
0xbe: {  	[sflag:s0] =	ssyncadd.remote.s32 $0x1  }
0xbf: {  	_ =	sfence.sel $0xFFFF  }
0xc0: {  	[dreg:$0x0] =	wrdreg $0xFFFFFFFF;
	(pc) =	sbr.abs _section_cstart, $3  }
0xc1: {  	[dreg:$0x1] =	wrdreg $0xFFFFFFFF  }
0xc2: {  	_ =	task.clear_ibuf [dreg:s7], $0x2FFFF;
	_ =	strace $0x9FFFFFFF  }
0xc3: {  	(tm) =	ssettm $0x7FFFFFFF  }
tec
execute0_lowered:
.L_overlay_start_1:
0x0: {  	(tag) =	ssettag $0x1  }
0x1: {  	s0 =	rddreg [dreg:$0x0]  }
0x2: {  	s15 =	rddreg [dreg:$0x1]  }
0x3: {  	s1 =	rddreg [dreg:$0x2];
	s3 =	simm.s32 $0x0  }
0x4: {  	s2 =	srdreg.scid;
	s26 =	stileid.u32;
	s17 =	simm.s32 $0xD  }
0x5: {  	s19 =	simm.s32 $0x40;
	s28 =	simm.s32 $0x6600;
	s29 =	simm.s32 $0x480  }
0x6: {  	s30 =	simm.s32 $0x8600;
	s31 =	simm.s32 $0x0;
	s6 =	smul.u32 $0x4E000, s26  }
0x7: {  	[smem:$0x7FF] =	sst s3;
	s2 =	sand.u32 $0x1, s2;
	s8 =	smul.u32 $0x2700, s26  }
0x8: {  	s4 =	sadd.s32 $0x52C00, s0;
	s14 =	sadd.s32 $0x2BA00, s0;
	s11 =	smul.u32 $0x13800, s26  }
0x9: {  	s13 =	sadd.s32 $0x3A00, s0;
	s0 =	sadd.s32 $0x79E00, s0;
	s21 =	smul.u32 $0xA000, s26  }
0xa: {  	p1 =	sne.s32 s26, $0xF;
	p2 =	seq.s32 s26, $0xF;
	_ =	strace $0x8000004D  }
0xb: {  	s5 =	sshll.u32 s2, $0x4;
	s7 =	ssub.s32 $0x2, s2;
	s10 =	smul.u32 $0x138800, s2  }
0xc: {  	p0 =	seq.s32 s2, $0x1;
	s2 =	smul.u32 $0xA0000, s2;
	[dreg:$0x4] =	wrdreg s14  }
0xd: {  	s5 =	sor.u32 s26, s5;
	s9 =	sshrl.u32 s7, $0x1;
	s6 =	sshrl.u32 s6, $0x2  }
0xe: {  	s20 =	sadd.s32 s14, s8;
	s22 =	sadd.s32 s15, s8;
	s14 =	sshll.u32 s26, $0x6  }
0xf: {  	s26 =	simm.s32 $0x380;
	s5 =	smul.u32 $0xA000, s5;
	s12 =	ssub.s32 s7, s9  }
0x10: {  	s16 =	sadd.s32 s6, s1;
	[dreg:$0x5] =	wrdreg s20;
	s7 =	sadd.s32 $0x138000, s1  }
0x11: {  	[dreg:$0x6] =	wrdreg s22;
	s23 =	sadd.s32 s11, s10;
	s24 =	sshrl.u32 s10, $0x3  }
0x12: {  	s2 =	sadd.s32 s21, s2;
	s15 =	sor.u32 $0x1C0D, s14;
	s20 =	simm.s32 $0x80  }
0x13: {  	s21 =	simm.s32 $0x600;
	s22 =	simm.s32 $0x180;
	s1 =	sshrl.u32 s23, $0x3  }
.Ltmp0:
0x14: {  	s2 =	sor.u32 $0x600, s2;
	s12 =	smax.u32 s12, $0x1;
	(pc) =	sbr.rel .LBB2_1-.Ltmp0, $4  }
0x15: {  	s16 =	sshrl.u32 s16, $0x3;
	s18 =	sshrl.u32 s7, $0x3;
	s23 =	simm.s32 $0x2600  }
0x16: {  	s5 =	sshrl.u32 s5, $0x3;
	s10 =	sadd.s32 s0, s1;
	s25 =	sshrl.u32 s2, $0x3  }
0x17: {  	s9 =	sadd.s32 s13, s5;
	s5 =	sadd.s32 s0, s24;
	s2 =	sadd.s32 s25, s13  }
0x18: {  	s24 =	simm.s32 $0x280;
	s25 =	simm.s32 $0x4600;
	s11 =	sadd.s32 $0x27000, s5  }
.LBB2_12:
0x19: {  	[bflag:$0x0] =	sbarrier.arrive $0xFFFF;
	s0 =	sor.u32 $0x1C0D, s14  }
0x1a: {  	[hbm:s10], [sflag:s0] =	dma.local [spmem:s16], $0x2700  }
0x1b: {  	_ =	swait.ge [sflag:s17], $0x2700  }
0x1c: {  	s31 =	sadd.s32 $0x1, s31;
	[sflag:s17] =	ssyncset.done $0x0  }
0x1d: {  	s1 =	sshrl.u32 @!p1 s7, $0x3;
	p3 =	sne.s32 s31, s12;
	[sflag:s17] =	ssyncadd.s32 $0xFFFFD900  }
0x1e: {  	[hbm:s11], [sflag:s0] =	dma.local @!p1 [spmem:s1], $0x100  }
.Ltmp1:
0x1f: {  	_ = 	snop;
	(pc) =	sbr.rel @!p3 .LBB2_13-.Ltmp1, $4  }
0x20: {  	s0 =	simm.s32 @!p1 $0xD  }
0x21: {  	_ =	swait.ge @!p1 [sflag:s0], $0x100  }
0x22: {  	[sflag:s0] =	ssyncset.done @!p1 $0x0  }
0x23: {  	[sflag:s0] =	ssyncadd.s32 @!p1 $0xFFFFFF00  }
.LBB2_1:
.Ltmp2:
0x24: {  	(pc) =	sbr.rel @!p0 .LBB2_2-.Ltmp2, $1  }
0x25: {  	_ =	sdelay $0x3  }
0x26: {  	s0 =	rddreg [dreg:$0x6]  }
0x27: {  	[spmem:s16], [sflag:s15] =	dma.local [hbm:s0], $0x2700  }
.Ltmp3:
0x28: {  	_ = 	snop;
	(pc) =	sbr.rel @p1 .LBB2_5-.Ltmp3, $4  }
.Ltmp4:
0x29: {  	_ =	swait.ge [sflag:s17], $0x2700;
	(pc) =	sbr.rel @!p1 .LBB2_4-.Ltmp4, $4  }
0x2a: {  	[sflag:s17] =	ssyncset.done $0x0  }
0x2b: {  	[sflag:s17] =	ssyncadd.s32 $0xFFFFD900  }
0x2c: {  	s0 =	smov.u32 s15;
	s1 =	rddreg [dreg:$0x1]  }
0x2d: {  	_ = 	snop  }
.LBB2_2:
.Ltmp5:
0x2e: {  	s0 =	sor.u32 $0x1C0D, s14;
	s1 =	rddreg [dreg:$0x5];
	(pc) =	sbr.rel @!p2 .LBB2_5-.Ltmp5, $4  }
0x2f: {  	[spmem:s16], [sflag:s0] =	dma.local [hbm:s1], $0x2700  }
0x30: {  	_ =	swait.ge [sflag:s17], $0x2700  }
0x31: {  	[sflag:s17] =	ssyncset.done $0x0  }
0x32: {  	s1 =	rddreg [dreg:$0x4];
	[sflag:s17] =	ssyncadd.s32 $0xFFFFD900  }
.LBB2_4:
0x33: {  	s1 =	sadd.s32 $0x27000, s1  }
0x34: {  	[spmem:s18], [sflag:s0] =	dma.local [hbm:s1], $0x100  }
0x35: {  	_ =	swait.ge [sflag:s17], $0x100  }
0x36: {  	[sflag:s17] =	ssyncset.done $0x0  }
0x37: {  	[sflag:s17] =	ssyncadd.s32 $0xFFFFFF00  }
.LBB2_5:
0x38: {  	s0 =	simm.s32 $0x0  }
0x39: {  	[tilespmem:s0], [sflag:$0xD] =	stream.linear.gather [hbm4b:s9+s0], $0x600, $0x38;
	[tilespmem:$0x1FE80] =	vst v63  }
0x3a: {  	_ =	swait.ge [sflag:s17], $0x600  }
0x3b: {  	[sflag:s17] =	ssyncset.done $0x0  }
0x3c: {  	[sflag:s17] =	ssyncadd.s32 $0xFFFFFA00  }
0x3d: {  	[bflag:$0x0] =	sbarrier.arrive $0xFFFF  }
0x3e: {  	[tilespmem:s21], [sflag:$0x7] =	stream.indirect.gather [hbm4b:s4+s19], $0x80, s20, s19, $0xb8;
	[tilespmem:$0x1FE80] =	vst v63  }
0x3f: {  	_ = 	snop  }
0x40: {  	[tilespmem:s23], [sflag:$0x8] =	stream.indirect.gather [hbm4b:s4+s19], $0x80, s22, s19, $0xb8;
	[tilespmem:$0x1FE80] =	vst v63  }
0x41: {  	_ = 	snop  }
0x42: {  	[tilespmem:s25], [sflag:$0x9] =	stream.indirect.gather [hbm4b:s4+s19], $0x80, s24, s19, $0xb8;
	[tilespmem:$0x1FE80] =	vst v63  }
.Ltmp6:
0x43: {  	_ = 	snop;
	(pc) =	sbr.rel .LBB2_6-.Ltmp6, $4  }
0x44: {  	_ = 	snop  }
0x45: {  	[tilespmem:s28], [sflag:$0xA] =	stream.indirect.gather [hbm4b:s4+s19], $0x80, s26, s19, $0xb8;
	[tilespmem:$0x1FE80] =	vst v63  }
0x46: {  	s13 =	smov.u32 s2  }
0x47: {  	[tilespmem:s30], [sflag:$0xB] =	stream.indirect.gather [hbm4b:s4+s19], $0x80, s29, s19, $0xb8;
	[tilespmem:$0x1FE80] =	vst v63  }
.LBB2_7:
0x48: {  	p3 =	seq.s32 s0, $0x0  }
.Ltmp7:
0x49: {  	_ = 	snop;
	(pc) =	sbr.rel @p3 .LBB2_10-.Ltmp7, $3  }
0x4a: {  	_ =	sdelay $0x1  }
0x4b: {  	s6 =	sshll.u32 s5, $0x8;
	s8 =	sadd.s32 $0x1, s5  }
0x4c: {  	[tilespmem:s6], [sflag:s8] =	stream.linear.gather [hbm4b:s13+s3], $0x100, $0x38;
	[tilespmem:$0x1FE80] =	vst v63  }
.LBB2_9:
0x4d: {  	s5 =	sadd.s32 $0x1, s1  }
0x4e: {  	_ =	swait.ge [sflag:s5], $0x100  }
0x4f: {  	[sflag:s5] =	ssyncset.done $0x0  }
0x50: {  	[sflag:s5] =	ssyncadd.s32 $0xFFFFFF00  }
.LBB2_10:
0x51: {  	s5 =	sshll.u32 s1, $0xD;
	s6 =	sshll.u32 s1, $0x8  }
0x52: {  	s8 =	sadd.s32 $0x7, s1;
	s5 =	sor.u32 $0x600, s5;
	s6 =	sor.u32 $0x80, s6  }
0x53: {  	[tilespmem:s5], [sflag:s8] =	stream.indirect.gather [hbm4b:s4+s19], $0x80, s6, s19, $0xb8;
	[tilespmem:$0x1FE80] =	vst v63  }
.LBB2_11:
0x54: {  	s0 =	sadd.s32 $0x1, s0  }
0x55: {  	p3 =	sne.s32 s0, $0xA0  }
.Ltmp8:
0x56: {  	_ = 	snop;
	(pc) =	sbr.rel @!p3 .LBB2_12-.Ltmp8, $2  }
0x57: {  	_ =	sdelay $0x2  }
0x58: {  	s13 =	sadd.s32 $0x20, s13  }
.LBB2_6:
0x59: {  	s1 =	smul.u32 $0xAB, s0;
	_ =	sdelay $0x1  }
0x5a: {  	s1 =	sshrl.u32 s1, $0xA  }
0x5b: {  	s6 =	sadd.s32 $0x5, s0;
	s1 =	sand.u32 $0x3F, s1  }
0x5c: {  	s5 =	sand.u32 $0xFF, s6;
	s1 =	smul.u32 $0x6, s1  }
0x5d: {  	s8 =	smul.u32 $0xAB, s5  }
0x5e: {  	p3 =	sgt.u32 s0, $0x99;
	s1 =	ssub.s32 s0, s1  }
.Ltmp9:
0x5f: {  	s8 =	sshrl.u32 s8, $0xA;
	s5 =	sand.u32 $0xFF, s1;
	(pc) =	sbr.rel @!p3 .LBB2_7-.Ltmp9, $4  }
0x60: {  	s1 =	smul.u32 $0x6, s8;
	s8 =	sadd.s32 $0x7, s5  }
0x61: {  	_ =	swait.ge [sflag:s8], $0x2000  }
0x62: {  	s1 =	ssub.s32 s6, s1;
	[sflag:s8] =	ssyncset.done $0x0  }
0x63: {  	s1 =	sand.u32 $0xFF, s1;
	[sflag:s8] =	ssyncadd.s32 $0xFFFFE000  }
0x64: {  	p3 =	sne.s32 s0, $0x9A  }
.Ltmp10:
0x65: {  	_ = 	snop;
	(pc) =	sbr.rel @p3 .LBB2_11-.Ltmp10, $4  }
.Ltmp11:
0x66: {  	_ = 	snop;
	(pc) =	sbr.rel @!p3 .LBB2_9-.Ltmp11, $4  }
0x67: {  	_ = 	snop  }
0x68: {  	_ = 	snop  }
0x69: {  	_ = 	snop  }
0x6a: {  	_ = 	snop  }
.LBB2_13:
0x6b: {  	_ =	sfence.sel $0x180000  }
0x6c: {  	[bflag:$0x0] =	sbarrier.arrive $0xFFFF  }
0x6d: {  	_ =	strace $0x9000004D  }
0x6e: {  	s0 =	stileid.u32;
	[bflag:$0x2] =	sbarrier.arrive $0xFFFF  }
0x6f: {  	p0 =	sne.s32 s0, $0x0;
	s0 =	rddreg [dreg:$0x3]  }
0x70: {  	s0 =	sadd.s32 @!p0 $0x100000, s0  }
0x71: {  	[sflag:s0] =	ssyncadd.tile.s32 @!p0 $0x1;
	_ =	shalt  }
.Lfunc_end2:
_tile_overlayer_lowered:
.L_overlay_start_2:
0x72: {  	(tag) =	ssettag $0x2  }
0x73: {  	s0 =	rddreg [dreg:$0x0];
	s2 =	stileid.u32  }
0x74: {  	s1 =	rddreg [dreg:$0x1];
	p0 =	sne.s32 s2, $0x0  }
0x75: {  	s3 =	rddreg [dreg:$0x2];
	[bflag:$0x3] =	sbarrier.arrive $0xFFFF;
	s2 =	simm.s32 @!p0 $0x1C0D  }
0x76: {  	[timem:s3], [sflag:s2] =	dma.local @!p0 [hbm:s0], s1  }
0x77: {  	s0 =	simm.s32 @!p0 $0xD  }
0x78: {  	_ =	swait.ge @!p0 [sflag:s0], s1  }
0x79: {  	s1 =	ssub.s32 @!p0 $0x0, s1;
	[sflag:s0] =	ssyncset.done @!p0 $0x0  }
0x7a: {  	[sflag:s0] =	ssyncadd.s32 @!p0 s1  }
0x7b: {  	[bflag:$0x3] =	sbarrier.arrive $0xFFFF  }
0x7c: {  	_ =	shalt  }

// kernel: kernel.8.cloned.1.call-start
scs
__scs_entry_jumppad:
0x0: {  	(pc) =	sbr.rel $0x88, $3  }
0x1: {  	(tag) =	ssettag $0x0;
	lr =	simm.s32 $0x1  }
0x2: {  	[smem:$0x3F8D] =	sst lr;
	_ =	strace $0xD0000000  }
0x3: {  	_ = 	snop  }
0x4: {  	_ = 	snop  }
0x5: {  	_ = 	snop  }
0x6: {  	_ = 	snop  }
0x7: {  	_ = 	snop  }
__scs_overlays_trampoline_lowered:
0x8: {  	[smem:$0x3F9C] =	sst s0  }
0x9: {  	[smem:$0x3F9D] =	sst s1  }
0xa: {  	[smem:$0x3F9E] =	sst s2  }
0xb: {  	[smem:$0x3F9F] =	sst s3  }
0xc: {  	[smem:$0x3FA0] =	sst s4  }
0xd: {  	[smem:$0x3FA1] =	sst s5  }
0xe: {  	[smem:$0x3FA2] =	sst s6  }
0xf: {  	[smem:$0x3FA3] =	sst s7  }
0x10: {  	[smem:$0x3FA4] =	sst s8  }
0x11: {  	[smem:$0x3FA5] =	sst s9;
	s0 =	simm.s32 @!p0 $0x0  }
0x12: {  	s1 =	sld [smem:$0x3F8B];
	s0 =	simm.s32 @p0 $0x1  }
0x13: {  	[smem:$0x3FA6] =	sst s0;
	s0 =	simm.s32 @!p1 $0x0  }
0x14: {  	s2 =	sld [smem:$0x3F8A];
	s0 =	simm.s32 @p1 $0x1  }
0x15: {  	[smem:$0x3FA7] =	sst s0;
	s0 =	simm.s32 @!p2 $0x0  }
0x16: {  	s3 =	sld [smem:$0x3FDB];
	s0 =	simm.s32 @p2 $0x1  }
0x17: {  	s4 =	simm.s32 $0x1BF5;
	[smem:$0x3FA9] =	sst s0  }
0x18: {  	s0 =	sld [smem:$0x3F8C];
	_ =	swait.ge [sflag:s4], $0x0  }
0x19: {  	s7 =	sld [smem:$0x3F8D]  }
0x1a: {  	s8 =	sadd.s32 $0xFFFFE003, lr  }
0x1b: {  	s9 =	sadd.s32 $0xFFFFFEF7, lr;
	s5 =	simm.s32 $0xFFFFFFFF;
	p2 =	slt.u32 s8, $0xFFFFF086  }
0x1c: {  	p1 =	slt.u32 s9, $0xF7A;
	s5 =	simm.s32 @!p2 $0x0  }
0x1d: {  	s5 =	simm.s32 @p1 $0x1;
	p0 =	seq.s32 s7, s2  }
0x1e: {  	s7 =	smul.u32 @!p0 $0xF7A, s2;
	p2 =	seq.s32 @!p0 s5, $0x0  }
0x1f: {  	s9 =	smul.u32 $0xF7A, s1;
	s8 =	simm.s32 @!p0 $0x1BF5;
	p2 =	por !p2, p0  }
0x20: {  	[sflag:s8] =	ssyncset.s32 @!p0 $0xFFFFF086;
	s6 =	sadd.s32 @!p0 s3, s7;
	s7 =	simm.s32 @!p0 $0x108  }
0x21: {  	s3 =	sadd.s32 s3, s9;
	s6 =	sadd.s32 @!p0 $0x88, s6;
	s7 =	simm.s32 @p2 $0x1082  }
0x22: {  	[simem:s7], [sflag:s8] =	dma.local @!p0 [hbm:s6], $0xF7A  }
0x23: {  	s9 =	sor.u32 $0xD0000000, s2;
	s6 =	simm.s32 $0x108;
	_ =	swait.ge @!p0 [sflag:s8], $0x0  }
0x24: {  	s3 =	sadd.s32 $0x88, s3;
	s6 =	simm.s32 @!p1 $0x1082;
	[sflag:s4] =	ssyncset.s32 $0xFFFFF086  }
0x25: {  	[simem:s6], [sflag:s4] =	dma.local [hbm:s3], $0xF7A  }
0x26: {  	[smem:$0x3F8D] =	sst s1;
	(tag) =	ssettag s2;
	_ =	strace s9  }
0x27: {  	s1 =	sld [smem:$0x3F9D]  }
0x28: {  	s2 =	sld [smem:$0x3F9E]  }
0x29: {  	s4 =	sld [smem:$0x3FA0]  }
0x2a: {  	p0 =	seq.s32 s5, $0x0;
	s5 =	sld [smem:$0x3FA1]  }
0x2b: {  	s6 =	sld [smem:$0x3FA2]  }
0x2c: {  	s7 =	sld [smem:$0x3FA3]  }
0x2d: {  	s3 =	simm.s32 $0x108;
	s8 =	sld [smem:$0x3FA4]  }
0x2e: {  	s3 =	simm.s32 @!p0 $0x1082;
	s9 =	sld [smem:$0x3FA5]  }
0x2f: {  	lr =	sadd.s32 s0, s3;
	s0 =	sld [smem:$0x3F9C]  }
0x30: {  	s3 =	sld [smem:$0x3F9F]  }
0x31: {  	[smem:$0x3FA8] =	sst s10  }
0x32: {  	s10 =	sld [smem:$0x3FA6];
	_ =	sdelay $0x3  }
0x33: {  	p0 =	seq.s32 s10, $0x1;
	s10 =	sld [smem:$0x3FA8];
	_ =	sdelay $0x3  }
0x34: {  	[smem:$0x3FA8] =	sst s10  }
0x35: {  	s10 =	sld [smem:$0x3FA7];
	_ =	sdelay $0x3  }
0x36: {  	p1 =	seq.s32 s10, $0x1;
	s10 =	sld [smem:$0x3FA8];
	_ =	sdelay $0x3  }
0x37: {  	[smem:$0x3FA8] =	sst s10  }
0x38: {  	s10 =	sld [smem:$0x3FA9]  }
0x39: {  	_ = 	snop;
	(pc) =	sbr.ind lr, $3  }
0x3a: {  	_ = 	snop  }
0x3b: {  	_ = 	snop  }
0x3c: {  	p2 =	seq.s32 s10, $0x1;
	s10 =	sld [smem:$0x3FA8]  }
0x3d: {  	_ =	shalt  }
0x3e: {  	_ =	shalt  }
0x3f: {  	_ =	shalt  }
0x40: {  	_ =	shalt  }
0x41: {  	_ =	shalt  }
0x42: {  	_ =	shalt  }
0x43: {  	_ =	shalt  }
0x44: {  	_ =	shalt  }
0x45: {  	_ =	shalt  }
0x46: {  	_ =	shalt  }
0x47: {  	_ =	shalt  }
0x48: {  	_ =	shalt  }
0x49: {  	_ =	shalt  }
0x4a: {  	_ =	shalt  }
0x4b: {  	_ =	shalt  }
0x4c: {  	_ =	shalt  }
0x4d: {  	_ =	shalt  }
0x4e: {  	_ =	shalt  }
0x4f: {  	_ =	shalt  }
0x50: {  	_ =	shalt  }
0x51: {  	_ =	shalt  }
0x52: {  	_ =	shalt  }
0x53: {  	_ =	shalt  }
0x54: {  	_ =	shalt  }
0x55: {  	_ =	shalt  }
0x56: {  	_ =	shalt  }
0x57: {  	_ =	shalt  }
0x58: {  	_ =	shalt  }
0x59: {  	_ =	shalt  }
0x5a: {  	_ =	shalt  }
0x5b: {  	_ =	shalt  }
0x5c: {  	_ =	shalt  }
0x5d: {  	_ =	shalt  }
0x5e: {  	_ =	shalt  }
0x5f: {  	_ =	shalt  }
0x60: {  	_ =	shalt  }
0x61: {  	_ =	shalt  }
0x62: {  	_ =	shalt  }
0x63: {  	_ =	shalt  }
0x64: {  	_ =	shalt  }
0x65: {  	_ =	shalt  }
0x66: {  	_ =	shalt  }
0x67: {  	_ =	shalt  }
0x68: {  	_ =	shalt  }
0x69: {  	_ =	shalt  }
0x6a: {  	_ =	shalt  }
0x6b: {  	_ =	shalt  }
0x6c: {  	_ =	shalt  }
0x6d: {  	_ =	shalt  }
0x6e: {  	_ =	shalt  }
0x6f: {  	_ =	shalt  }
0x70: {  	_ =	shalt  }
0x71: {  	_ =	shalt  }
0x72: {  	_ =	shalt  }
0x73: {  	_ =	shalt  }
0x74: {  	_ =	shalt  }
0x75: {  	_ =	shalt  }
0x76: {  	_ =	shalt  }
0x77: {  	_ =	shalt  }
0x78: {  	_ =	shalt  }
0x79: {  	_ =	shalt  }
0x7a: {  	_ =	shalt  }
0x7b: {  	_ =	shalt  }
0x7c: {  	_ =	shalt  }
0x7d: {  	_ =	shalt  }
0x7e: {  	_ =	shalt  }
0x7f: {  	_ =	shalt  }
0x80: {  	_ =	shalt  }
0x81: {  	_ =	shalt  }
0x82: {  	_ =	shalt  }
0x83: {  	_ =	shalt  }
0x84: {  	_ =	shalt  }
0x85: {  	_ =	shalt  }
0x86: {  	_ =	shalt  }
0x87: {  	_ =	shalt  }
.Lfunc_end0:
.L_simem_size_0:
called_computation_lowered:
.L_overlay_start_0:
0x88: {  	s2 =	sld [smem:$0x3FD9]  }
0x89: {  	s3 =	sld [smem:$0x3FFE];
	_ =	sdelay $0x1  }
0x8a: {  	s1 =	srdreg.scid  }
0x8b: {  	s0 =	sand.u32 $0x1, s1  }
0x8c: {  	s17 =	sshll.u32 s0, $0xA;
	s2 =	sadd.s32 s3, s2  }
0x8d: {  	s2 =	sadd.s32 s2, s17  }
0x8e: {  	[smem:$0x3FB4] =	sst s2  }
0x8f: {  	_ = 	snop  }
0x90: {  	s2 =	sld [smem:$0x3FC9]  }
0x91: {  	s18 =	sld [smem:$0x3FD0];
	(tm) =	ssettm $0x1  }
0x92: {  	s4 =	sld [smem:$0x3FFB];
	_ =	sdelay $0x3  }
0x93: {  	_ =	strace s4  }
0x94: {  	s4 =	sld [smem:$0x3FFC];
	_ =	sdelay $0x3  }
0x95: {  	_ =	strace s4  }
0x96: {  	s4 =	sld [smem:$0x3FFD];
	_ =	sdelay $0x3  }
0x97: {  	_ =	strace s4  }
0x98: {  	_ =	strace $0x8FFFFFFF  }
0x99: {  	s19 =	sld [smem:$0x3FDB];
	_ =	sdelay $0x1  }
0x9a: {  	s5 =	simm.s32 $_scs_section_size  }
0x9b: {  	s6 =	simm.s32 $_size__tile_overlayer_lowered;
	s7 =	simm.s32 $_tile_overlayer_lowered  }
0x9c: {  	s22 =	simm.s32 $0x1BFF;
	s21 =	sshll.u32 s7, $0x1;
	s4 =	sadd.s32 s5, s19  }
0x9d: {  	s8 =	simm.s32 $0x0;
	s20 =	sshll.u32 s6, $0x1;
	s6 =	sadd.s32 s21, s4  }
0x9e: {  	[timem:s8], [sflag:s22] =	dma.local [hbm:s6], s20  }
0x9f: {  	_ =	swait.ge [sflag:s22], s20  }
0xa0: {  	s5 =	ssub.s32 $0x0, s20;
	[sflag:s22] =	ssyncset.done $0x0  }
0xa1: {  	[sflag:s22] =	ssyncadd.s32 s5;
	_ =	sdelay $0x1  }
0xa2: {  	s23 =	simm.s32 $0x1B8B  }
0xa3: {  	_ =	swait.ge [sflag:s23], $0x1  }
0xa4: {  	[sflag:s23] =	ssyncset.done $0x0  }
0xa5: {  	s25 =	simm.s32 $0x1B8E;
	s24 =	sld [smem:$0x3FFE];
	[sflag:s23] =	ssyncadd.s32 $0xFFFFFFFF  }
0xa6: {  	s26 =	simm.s32 $execute0_lowered;
	[smem:$0x3FD2] =	sst s25  }
0xa7: {  	s6 =	sshll.u32 s26, $0x1;
	_ =	strace $0x80000046;
	[dreg:$0x1] =	wrdreg $0xFFFFFFFF  }
0xa8: {  	s28 =	simm.s32 $_size_execute0_lowered;
	s4 =	sadd.s32 s4, s6;
	[dreg:$0x0] =	wrdreg $0x0  }
0xa9: {  	s6 =	sshll.u32 s28, $0x1;
	[dreg:$0x2] =	wrdreg s4  }
0xaa: {  	[dreg:$0x3] =	wrdreg s6  }
0xab: {  	[dreg:$0x4] =	wrdreg $0xC0  }
0xac: {  	_ =	task [dreg:s8], $0x5FFFF  }
0xad: {  	[dreg:$0x1] =	wrdreg $0xFFFFFFFF  }
0xae: {  	[dreg:$0x0] =	wrdreg $0x60  }
0xaf: {  	[dreg:$0x2] =	wrdreg s24  }
0xb0: {  	[dreg:$0x3] =	wrdreg s2  }
0xb1: {  	[dreg:$0x4] =	wrdreg s18  }
0xb2: {  	[dreg:$0x5] =	wrdreg $0xC6000  }
0xb3: {  	[dreg:$0x6] =	wrdreg $0x9  }
0xb4: {  	_ =	task.clear_ibuf [dreg:s8], $0x7FFFF;
	_ =	strace $0x90000046  }
0xb5: {  	s29 =	simm.s32 $0x9;
	_ =	strace $0x80000048  }
0xb6: {  	_ =	swait.ge [sflag:s29], $0x1  }
0xb7: {  	[sflag:s29] =	ssyncadd.s32 $0xFFFFFFFF  }
0xb8: {  	_ =	strace $0x90000048  }
0xb9: {  	_ =	sfence  }
0xba: {  	s30 =	sld [smem:$0x0];
	_ =	sdelay $0x2  }
0xbb: {  	s31 =	sshll.u32 s1, $0xD;
	s1 =	sshrl.u32 s1, $0x2  }
0xbc: {  	s3 =	sand.u32 $0x4000, s31;
	s1 =	sadd.s32 s1, s30  }
0xbd: {  	s0 =	sor.u32 s3, s0;
	s1 =	sshll.u32 s1, $0x11  }
0xbe: {  	s0 =	sor.u32 s1, s0  }
0xbf: {  	s0 =	sadd.s32 $0x8F2B, s0  }
0xc0: {  	[sflag:s0] =	ssyncadd.remote.s32 $0x1  }
0xc1: {  	_ =	sfence.sel $0xFFFF  }
0xc2: {  	[dreg:$0x0] =	wrdreg $0xFFFFFFFF;
	(pc) =	sbr.abs _section_cstart, $3  }
0xc3: {  	[dreg:$0x1] =	wrdreg $0xFFFFFFFF  }
0xc4: {  	_ =	task.clear_ibuf [dreg:s8], $0x2FFFF;
	_ =	strace $0x9FFFFFFF  }
0xc5: {  	(tm) =	ssettm $0x7FFFFFFF  }
tec
execute0_lowered:
.L_overlay_start_1:
0x0: {  	(tag) =	ssettag $0x1  }
0x1: {  	s0 =	rddreg [dreg:$0x0]  }
0x2: {  	s14 =	rddreg [dreg:$0x1]  }
0x3: {  	s15 =	rddreg [dreg:$0x2]  }
0x4: {  	s1 =	rddreg [dreg:$0x3];
	s4 =	simm.s32 $0x0;
	s2 =	srdreg.scid  }
0x5: {  	s26 =	stileid.u32;
	s17 =	simm.s32 $0xD;
	s19 =	simm.s32 $0x40  }
0x6: {  	s28 =	simm.s32 $0x6600;
	s29 =	simm.s32 $0x480;
	s30 =	simm.s32 $0x8600  }
0x7: {  	s31 =	simm.s32 $0x0;
	[smem:$0x7FF] =	sst s4;
	s6 =	smul.u32 $0x4E000, s26  }
0x8: {  	s2 =	sand.u32 $0x1, s2;
	s5 =	sadd.s32 $0x2BA00, s0;
	s8 =	smul.u32 $0x2700, s26  }
0x9: {  	s13 =	sadd.s32 $0x3A00, s0;
	s0 =	sadd.s32 $0x52C00, s0;
	s11 =	smul.u32 $0x13800, s26  }
0xa: {  	s21 =	smul.u32 $0xA000, s26;
	p1 =	sne.s32 s26, $0xF;
	p2 =	seq.s32 s26, $0xF  }
0xb: {  	_ =	strace $0x80000047;
	s3 =	sshll.u32 s2, $0x4;
	s10 =	smul.u32 $0x138800, s2  }
0xc: {  	s7 =	ssub.s32 $0x2, s2;
	p0 =	seq.s32 s2, $0x1;
	s2 =	smul.u32 $0xA0000, s2  }
0xd: {  	s3 =	sor.u32 s26, s3;
	s9 =	sshrl.u32 s7, $0x1;
	s6 =	sshrl.u32 s6, $0x2  }
0xe: {  	s20 =	sadd.s32 s14, s8;
	s22 =	sadd.s32 s15, s8;
	s14 =	sshll.u32 s26, $0x6  }
0xf: {  	s26 =	simm.s32 $0x380;
	s3 =	smul.u32 $0xA000, s3;
	s12 =	ssub.s32 s7, s9  }
0x10: {  	s16 =	sadd.s32 s6, s1;
	[dreg:$0x5] =	wrdreg s20;
	s7 =	sadd.s32 $0x138000, s1  }
0x11: {  	[dreg:$0x6] =	wrdreg s22;
	s23 =	sadd.s32 s11, s10;
	s24 =	sshrl.u32 s10, $0x3  }
0x12: {  	s2 =	sadd.s32 s21, s2;
	s15 =	sor.u32 $0x1C0D, s14;
	s20 =	simm.s32 $0x80  }
0x13: {  	s21 =	simm.s32 $0x600;
	s22 =	simm.s32 $0x180;
	s1 =	sshrl.u32 s23, $0x3  }
.Ltmp0:
0x14: {  	s2 =	sor.u32 $0x600, s2;
	s12 =	smax.u32 s12, $0x1;
	(pc) =	sbr.rel .LBB2_1-.Ltmp0, $4  }
0x15: {  	s16 =	sshrl.u32 s16, $0x3;
	s18 =	sshrl.u32 s7, $0x3;
	s23 =	simm.s32 $0x2600  }
0x16: {  	s3 =	sshrl.u32 s3, $0x3;
	s10 =	sadd.s32 s0, s1;
	s25 =	sshrl.u32 s2, $0x3  }
0x17: {  	s9 =	sadd.s32 s13, s3;
	s3 =	sadd.s32 s0, s24;
	s24 =	simm.s32 $0x280  }
0x18: {  	s11 =	sadd.s32 $0x27000, s3;
	s3 =	sadd.s32 s25, s13;
	s25 =	simm.s32 $0x4600  }
.LBB2_12:
0x19: {  	[bflag:$0x0] =	sbarrier.arrive $0xFFFF;
	s0 =	sor.u32 $0x1C0D, s14  }
0x1a: {  	[hbm:s10], [sflag:s0] =	dma.local [spmem:s16], $0x2700  }
0x1b: {  	_ =	swait.ge [sflag:s17], $0x2700  }
0x1c: {  	s31 =	sadd.s32 $0x1, s31;
	[sflag:s17] =	ssyncset.done $0x0  }
0x1d: {  	s1 =	sshrl.u32 @!p1 s7, $0x3;
	p3 =	sne.s32 s31, s12;
	[sflag:s17] =	ssyncadd.s32 $0xFFFFD900  }
0x1e: {  	[hbm:s11], [sflag:s0] =	dma.local @!p1 [spmem:s1], $0x100  }
.Ltmp1:
0x1f: {  	_ = 	snop;
	(pc) =	sbr.rel @!p3 .LBB2_13-.Ltmp1, $4  }
0x20: {  	s0 =	simm.s32 @!p1 $0xD  }
0x21: {  	_ =	swait.ge @!p1 [sflag:s0], $0x100  }
0x22: {  	[sflag:s0] =	ssyncset.done @!p1 $0x0  }
0x23: {  	[sflag:s0] =	ssyncadd.s32 @!p1 $0xFFFFFF00  }
.LBB2_1:
.Ltmp2:
0x24: {  	(pc) =	sbr.rel @!p0 .LBB2_2-.Ltmp2, $1  }
0x25: {  	_ =	sdelay $0x3  }
0x26: {  	s0 =	rddreg [dreg:$0x6]  }
0x27: {  	[spmem:s16], [sflag:s15] =	dma.local [hbm:s0], $0x2700  }
.Ltmp3:
0x28: {  	_ = 	snop;
	(pc) =	sbr.rel @p1 .LBB2_5-.Ltmp3, $4  }
.Ltmp4:
0x29: {  	_ =	swait.ge [sflag:s17], $0x2700;
	(pc) =	sbr.rel @!p1 .LBB2_4-.Ltmp4, $4  }
0x2a: {  	[sflag:s17] =	ssyncset.done $0x0  }
0x2b: {  	[sflag:s17] =	ssyncadd.s32 $0xFFFFD900  }
0x2c: {  	s0 =	smov.u32 s15;
	s1 =	rddreg [dreg:$0x2]  }
0x2d: {  	_ = 	snop  }
.LBB2_2:
0x2e: {  	s0 =	sor.u32 $0x1C0D, s14;
	s1 =	rddreg [dreg:$0x5]  }
0x2f: {  	[spmem:s16], [sflag:s0] =	dma.local [hbm:s1], $0x2700  }
.Ltmp5:
0x30: {  	_ = 	snop;
	(pc) =	sbr.rel @!p2 .LBB2_5-.Ltmp5, $4  }
0x31: {  	_ =	swait.ge [sflag:s17], $0x2700  }
0x32: {  	[sflag:s17] =	ssyncset.done $0x0  }
0x33: {  	[sflag:s17] =	ssyncadd.s32 $0xFFFFD900  }
0x34: {  	s1 =	rddreg [dreg:$0x1]  }
.LBB2_4:
0x35: {  	s1 =	sadd.s32 $0x27000, s1  }
0x36: {  	[spmem:s18], [sflag:s0] =	dma.local [hbm:s1], $0x100  }
0x37: {  	_ =	swait.ge [sflag:s17], $0x100  }
0x38: {  	[sflag:s17] =	ssyncset.done $0x0  }
0x39: {  	[sflag:s17] =	ssyncadd.s32 $0xFFFFFF00  }
.LBB2_5:
0x3a: {  	s0 =	simm.s32 $0x0  }
0x3b: {  	[tilespmem:s0], [sflag:$0xD] =	stream.linear.gather [hbm4b:s9+s0], $0x600, $0x38;
	[tilespmem:$0x1FE80] =	vst v63  }
0x3c: {  	_ =	swait.ge [sflag:s17], $0x600  }
0x3d: {  	[sflag:s17] =	ssyncset.done $0x0  }
0x3e: {  	[sflag:s17] =	ssyncadd.s32 $0xFFFFFA00  }
0x3f: {  	[bflag:$0x0] =	sbarrier.arrive $0xFFFF  }
0x40: {  	[tilespmem:s21], [sflag:$0x7] =	stream.indirect.gather [hbm4b:s5+s19], $0x80, s20, s19, $0xb8;
	[tilespmem:$0x1FE80] =	vst v63  }
0x41: {  	_ = 	snop  }
0x42: {  	[tilespmem:s23], [sflag:$0x8] =	stream.indirect.gather [hbm4b:s5+s19], $0x80, s22, s19, $0xb8;
	[tilespmem:$0x1FE80] =	vst v63  }
0x43: {  	_ = 	snop  }
0x44: {  	[tilespmem:s25], [sflag:$0x9] =	stream.indirect.gather [hbm4b:s5+s19], $0x80, s24, s19, $0xb8;
	[tilespmem:$0x1FE80] =	vst v63  }
.Ltmp6:
0x45: {  	_ = 	snop;
	(pc) =	sbr.rel .LBB2_6-.Ltmp6, $4  }
0x46: {  	_ = 	snop  }
0x47: {  	[tilespmem:s28], [sflag:$0xA] =	stream.indirect.gather [hbm4b:s5+s19], $0x80, s26, s19, $0xb8;
	[tilespmem:$0x1FE80] =	vst v63  }
0x48: {  	s13 =	smov.u32 s3  }
0x49: {  	[tilespmem:s30], [sflag:$0xB] =	stream.indirect.gather [hbm4b:s5+s19], $0x80, s29, s19, $0xb8;
	[tilespmem:$0x1FE80] =	vst v63  }
.LBB2_7:
0x4a: {  	p3 =	seq.s32 s0, $0x0  }
.Ltmp7:
0x4b: {  	_ = 	snop;
	(pc) =	sbr.rel @p3 .LBB2_10-.Ltmp7, $3  }
0x4c: {  	_ =	sdelay $0x1  }
0x4d: {  	s6 =	sshll.u32 s2, $0x8;
	s8 =	sadd.s32 $0x1, s2  }
0x4e: {  	[tilespmem:s6], [sflag:s8] =	stream.linear.gather [hbm4b:s13+s4], $0x100, $0x38;
	[tilespmem:$0x1FE80] =	vst v63  }
.LBB2_9:
0x4f: {  	s2 =	sadd.s32 $0x1, s1  }
0x50: {  	_ =	swait.ge [sflag:s2], $0x100  }
0x51: {  	[sflag:s2] =	ssyncset.done $0x0  }
0x52: {  	[sflag:s2] =	ssyncadd.s32 $0xFFFFFF00  }
.LBB2_10:
0x53: {  	s2 =	sshll.u32 s1, $0xD;
	s6 =	sshll.u32 s1, $0x8  }
0x54: {  	s8 =	sadd.s32 $0x7, s1;
	s2 =	sor.u32 $0x600, s2;
	s6 =	sor.u32 $0x80, s6  }
0x55: {  	[tilespmem:s2], [sflag:s8] =	stream.indirect.gather [hbm4b:s5+s19], $0x80, s6, s19, $0xb8;
	[tilespmem:$0x1FE80] =	vst v63  }
.LBB2_11:
0x56: {  	s0 =	sadd.s32 $0x1, s0  }
0x57: {  	p3 =	sne.s32 s0, $0xA0  }
.Ltmp8:
0x58: {  	_ = 	snop;
	(pc) =	sbr.rel @!p3 .LBB2_12-.Ltmp8, $2  }
0x59: {  	_ =	sdelay $0x2  }
0x5a: {  	s13 =	sadd.s32 $0x20, s13  }
.LBB2_6:
0x5b: {  	s1 =	smul.u32 $0xAB, s0;
	_ =	sdelay $0x1  }
0x5c: {  	s1 =	sshrl.u32 s1, $0xA  }
0x5d: {  	s6 =	sadd.s32 $0x5, s0;
	s1 =	sand.u32 $0x3F, s1  }
0x5e: {  	s2 =	sand.u32 $0xFF, s6;
	s1 =	smul.u32 $0x6, s1  }
0x5f: {  	s8 =	smul.u32 $0xAB, s2  }
0x60: {  	p3 =	sgt.u32 s0, $0x99;
	s1 =	ssub.s32 s0, s1  }
.Ltmp9:
0x61: {  	s8 =	sshrl.u32 s8, $0xA;
	s2 =	sand.u32 $0xFF, s1;
	(pc) =	sbr.rel @!p3 .LBB2_7-.Ltmp9, $4  }
0x62: {  	s1 =	smul.u32 $0x6, s8;
	s8 =	sadd.s32 $0x7, s2  }
0x63: {  	_ =	swait.ge [sflag:s8], $0x2000  }
0x64: {  	s1 =	ssub.s32 s6, s1;
	[sflag:s8] =	ssyncset.done $0x0  }
0x65: {  	s1 =	sand.u32 $0xFF, s1;
	[sflag:s8] =	ssyncadd.s32 $0xFFFFE000  }
0x66: {  	p3 =	sne.s32 s0, $0x9A  }
.Ltmp10:
0x67: {  	_ = 	snop;
	(pc) =	sbr.rel @p3 .LBB2_11-.Ltmp10, $4  }
.Ltmp11:
0x68: {  	_ = 	snop;
	(pc) =	sbr.rel @!p3 .LBB2_9-.Ltmp11, $4  }
0x69: {  	_ = 	snop  }
0x6a: {  	_ = 	snop  }
0x6b: {  	_ = 	snop  }
0x6c: {  	_ = 	snop  }
.LBB2_13:
0x6d: {  	_ =	sfence.sel $0x180000  }
0x6e: {  	[bflag:$0x0] =	sbarrier.arrive $0xFFFF  }
0x6f: {  	_ =	strace $0x90000047  }
0x70: {  	s0 =	stileid.u32;
	[bflag:$0x2] =	sbarrier.arrive $0xFFFF  }
0x71: {  	p0 =	sne.s32 s0, $0x0;
	s0 =	rddreg [dreg:$0x4]  }
0x72: {  	s0 =	sadd.s32 @!p0 $0x100000, s0  }
0x73: {  	[sflag:s0] =	ssyncadd.tile.s32 @!p0 $0x1;
	_ =	shalt  }
.Lfunc_end2:
_tile_overlayer_lowered:
.L_overlay_start_2:
0x74: {  	(tag) =	ssettag $0x2  }
0x75: {  	s0 =	rddreg [dreg:$0x0];
	s2 =	stileid.u32  }
0x76: {  	s1 =	rddreg [dreg:$0x1];
	p0 =	sne.s32 s2, $0x0  }
0x77: {  	s3 =	rddreg [dreg:$0x2];
	[bflag:$0x3] =	sbarrier.arrive $0xFFFF;
	s2 =	simm.s32 @!p0 $0x1C0D  }
0x78: {  	[timem:s3], [sflag:s2] =	dma.local @!p0 [hbm:s0], s1  }
0x79: {  	s0 =	simm.s32 @!p0 $0xD  }
0x7a: {  	_ =	swait.ge @!p0 [sflag:s0], s1  }
0x7b: {  	s1 =	ssub.s32 @!p0 $0x0, s1;
	[sflag:s0] =	ssyncset.done @!p0 $0x0  }
0x7c: {  	[sflag:s0] =	ssyncadd.s32 @!p0 s1  }
0x7d: {  	[bflag:$0x3] =	sbarrier.arrive $0xFFFF  }
0x7e: {  	_ =	shalt  }

</sc_bundles>
